<compile_context>
chip_gen: v7x
topology: tpu7x:2x2x1
jax: 0.10.2.dev20260603
libtpu: 0.0.44.dev20260713+nightly
codegen_flags: <defaults>
</compile_context>

<pallas_src>
import functools

import jax
import jax.numpy as jnp
from jax import lax
from jax.experimental import pallas as pl
from jax.experimental.pallas import tpu as pltpu
from jax.experimental.pallas import tpu_sc as plsc

_i32 = jnp.int32
_MIN_NORM = 1e-15
_EPS = 1e-7
_N = 10000
_E = 320000
_D = 128

_CHUNK = 128
_CORES = 2
_SUBCORES = 16
_TILES = _CORES * _SUBCORES
_CHUNKS = 80
_NPAD = 10240
_BR = 2000


def _arcosh(t):
    return jnp.log(t + jnp.sqrt(jnp.clip(t * t - 1.0, 0.0, None)))


def _tangent_body(x_ref, xt_ref):
    xb = x_ref[...]
    col = lax.broadcasted_iota(jnp.int32, xb.shape, 1)
    y = jnp.where(col == 0, 0.0, xb)
    n = jnp.maximum(jnp.sqrt(jnp.sum(y * y, axis=1, keepdims=True)), _MIN_NORM)
    e = jnp.exp(n)
    rest = (0.5 * (e - 1.0 / e)) * y / n
    r2 = jnp.sum(rest * rest, axis=1, keepdims=True)
    first = jnp.sqrt(jnp.maximum(1.0 + r2, _EPS))
    yn = jnp.maximum(jnp.sqrt(r2), _MIN_NORM)
    theta = jnp.maximum(first, 1.0 + _EPS)
    xt_ref[...] = jnp.where(col == 0, 0.0, (_arcosh(theta) / yn) * rest)


def _combine_body(eps_ref, x_ref, xt_ref, p_ref, w1_ref, b1_ref, w2_ref, b2_ref,
                  o_ref):
    eps = eps_ref[0]
    xb = x_ref[...]
    xt = xt_ref[...]
    sup = p_ref[0] + p_ref[1]
    col = lax.broadcasted_iota(jnp.int32, xb.shape, 1)

    def c0(a):
        return jnp.sum(jnp.where(col == 0, a, 0.0), axis=1, keepdims=True)

    def mdot(a, b):
        return jnp.sum(a * b, axis=1, keepdims=True) - 2.0 * c0(a) * c0(b)

    def expmap0(u):
        y = jnp.where(col == 0, 0.0, u)
        n = jnp.maximum(jnp.sqrt(jnp.sum(y * y, axis=1, keepdims=True)), _MIN_NORM)
        e = jnp.exp(n)
        rest = (0.5 * (e - 1.0 / e)) * y / n
        r2 = jnp.sum(rest * rest, axis=1, keepdims=True)
        first = jnp.sqrt(jnp.maximum(1.0 + r2, _EPS))
        return jnp.where(col == 0, first, rest)

    def logmap0(xh):
        y = jnp.where(col == 0, 0.0, xh)
        yn = jnp.maximum(jnp.sqrt(jnp.sum(y * y, axis=1, keepdims=True)), _MIN_NORM)
        theta = jnp.maximum(c0(xh), 1.0 + _EPS)
        return jnp.where(col == 0, 0.0, (_arcosh(theta) / yn) * y)

    x_h = expmap0(xb)
    out1 = expmap0(sup)
    log_out = logmap0(out1)

    prod = mdot(x_h, out1)
    theta_d = jnp.maximum(-prod, 1.0 + _EPS)
    sq = jnp.minimum(_arcosh(theta_d) ** 2, 50.0)
    dist = jnp.sqrt(sq)

    def logmap_pair(a, b):
        xy = jnp.minimum(mdot(a, b) + 1.0, -_EPS) - 1.0
        u = b + xy * a
        normu = jnp.maximum(jnp.sqrt(jnp.maximum(mdot(u, u), _EPS)), _MIN_NORM)
        return dist * u / normu

    logxy = logmap_pair(x_h, out1)
    logyx = logmap_pair(out1, x_h)
    alpha = mdot(logxy, xt) / jnp.maximum(sq, _MIN_NORM)
    res = xt - alpha * (logxy + logyx)
    ux = jnp.sum(jnp.where(col == 0, 0.0, out1 * res), axis=1, keepdims=True)
    first_pt = ux / jnp.maximum(c0(out1), _EPS)
    pt = jnp.where(col == 0, first_pt, res)

    out2 = expmap0(log_out + (1.0 + eps) * pt)
    h = jnp.maximum(jnp.dot(out2, w1_ref[...],
                            preferred_element_type=jnp.float32) + b1_ref[...], 0.0)
    o_ref[...] = jnp.dot(h, w2_ref[...],
                         preferred_element_type=jnp.float32) + b2_ref[...]


def _sc_segment_sum(xt, src_blocks, dst_blocks, zeros):
    mesh = plsc.VectorSubcoreMesh(core_axis_name="c", subcore_axis_name="s")
    grp = 8

    @functools.partial(
        pl.kernel,
        mesh=mesh,
        out_type=jax.ShapeDtypeStruct((_CORES, _NPAD, _D), jnp.float32),
        scratch_types=[
            pltpu.VMEM((grp, _CHUNK), jnp.int32),
            pltpu.VMEM((grp, _CHUNK), jnp.int32),
            pltpu.VMEM((_CHUNK, _D), jnp.float32),
            pltpu.VMEM((_CHUNK, _D), jnp.float32),
            pltpu.VMEM_SHARED((_NPAD, _D), jnp.float32),
            pltpu.SemaphoreType.DMA,
            pltpu.SemaphoreType.DMA,
        ],
    )
    def body(xt_hbm, src_hbm, dst_hbm, zeros_hbm, out_hbm,
             sidx, didx, buf0, buf1, acc, sem0, sem1):
        cid = lax.axis_index("c")
        sid = lax.axis_index("s")
        rz = _NPAD // _SUBCORES
        pltpu.sync_copy(zeros_hbm, acc.at[pl.ds(sid * rz, rz)])
        plsc.subcore_barrier()

        bufs = (buf0, buf1)
        sems = (sem0, sem1)

        def gather(k, p):
            return pltpu.make_async_copy(xt_hbm.at[sidx.at[_i32(k)]],
                                         bufs[p], sems[p])

        def step(i, carry):
            j0 = pl.multiple_of(i * jnp.int32(grp), grp)
            pltpu.sync_copy(src_hbm.at[cid, sid, pl.ds(j0, grp)], sidx)
            pltpu.sync_copy(dst_hbm.at[cid, sid, pl.ds(j0, grp)], didx)
            gather(0, 0).start()
            gather(1, 1).start()
            for k in range(grp):
                p = k % 2
                gather(k, p).wait()
                pltpu.sync_copy(bufs[p], acc.at[didx.at[_i32(k)]], add=True)
                if k + 2 < grp:
                    gather(k + 2, p).start()
            return carry

        lax.fori_loop(jnp.int32(0), jnp.int32(_CHUNKS // grp), step,
                      jnp.int32(0))
        plsc.subcore_barrier()
        pltpu.sync_copy(acc.at[pl.ds(sid * rz, rz)],
                        out_hbm.at[cid, pl.ds(sid * rz, rz)])

    return body(xt, src_blocks, dst_blocks, zeros)


def kernel(x, edge_index, eps, W1, b1, W2, b2):
    x = x.astype(jnp.float32)
    dst = edge_index[0].astype(jnp.int32)
    src = edge_index[1].astype(jnp.int32)

    xt = pl.pallas_call(
        _tangent_body,
        grid=(_N // _BR,),
        in_specs=[pl.BlockSpec((_BR, _D), lambda i: (_i32(i), _i32(0)))],
        out_specs=pl.BlockSpec((_BR, _D), lambda i: (_i32(i), _i32(0))),
        out_shape=jax.ShapeDtypeStruct((_N, _D), jnp.float32),
    )(x)

    pad_n = _TILES * _CHUNKS * _CHUNK - _E
    pad_src = jnp.arange(pad_n, dtype=jnp.int32) % _N
    src_p = jnp.concatenate([src, pad_src]).reshape(
        _CORES, _SUBCORES, _CHUNKS, _CHUNK)
    pad_dst = _N + (jnp.arange(pad_n, dtype=jnp.int32) % (_NPAD - _N))
    dst_p = jnp.concatenate([dst, pad_dst]).reshape(
        _CORES, _SUBCORES, _CHUNKS, _CHUNK)
    zeros = jnp.zeros((_NPAD // _SUBCORES, _D), jnp.float32)

    partials = _sc_segment_sum(xt, src_p, dst_p, zeros)

    eps_arr = jnp.reshape(eps.astype(jnp.float32), (1,))
    out = pl.pallas_call(
        _combine_body,
        grid=(_N // _BR,),
        in_specs=[
            pl.BlockSpec((1,), lambda i: (_i32(0),), memory_space=pltpu.SMEM),
            pl.BlockSpec((_BR, _D), lambda i: (_i32(i), _i32(0))),
            pl.BlockSpec((_BR, _D), lambda i: (_i32(i), _i32(0))),
            pl.BlockSpec((_CORES, _BR, _D), lambda i: (_i32(0), _i32(i), _i32(0))),
            pl.BlockSpec((_D, _D), lambda i: (_i32(0), _i32(0))),
            pl.BlockSpec((1, _D), lambda i: (_i32(0), _i32(0))),
            pl.BlockSpec((_D, _D), lambda i: (_i32(0), _i32(0))),
            pl.BlockSpec((1, _D), lambda i: (_i32(0), _i32(0))),
        ],
        out_specs=pl.BlockSpec((_BR, _D), lambda i: (_i32(i), _i32(0))),
        out_shape=jax.ShapeDtypeStruct((_N, _D), jnp.float32),
    )(eps_arr, x, xt, partials, W1, jnp.reshape(b1, (1, _D)),
      W2, jnp.reshape(b2, (1, _D)))
    return out

# --- scband reference (transcript-rebuilt; emitter-appended) ---
"""Pipeline reference for scband-lorentz-gin-764504178733 (READ-ONLY COPY).

The authoritative reference and input builder live on the scoring server;
editing this copy changes nothing except your own understanding.
"""

import jax, jax.numpy as jnp
import numpy as np
jax.config.update("jax_enable_x64", True)

MIN_NORM = 1e-15
EPS = 1e-7
N = 10000
E = 320000
D = 128

def arcosh(x):
    return jnp.log(x + jnp.sqrt(jnp.clip(x * x - 1.0, 0.0, None)))

def minkowski_dot(x, y):
    return jnp.sum(x * y, axis=-1, keepdims=True) - 2.0 * x[:, 0:1] * y[:, 0:1]

def minkowski_norm(u):
    return jnp.sqrt(jnp.maximum(minkowski_dot(u, u), EPS))

def proj(x, c):
    K = 1.0 / c
    y = x[:, 1:]
    y_sqnorm = jnp.sum(y * y, axis=-1, keepdims=True)
    first = jnp.sqrt(jnp.maximum(K + y_sqnorm, EPS))
    return jnp.concatenate([first, y], axis=-1)

def proj_tan(u, x, c):
    ux = jnp.sum(x[:, 1:] * u[:, 1:], axis=-1, keepdims=True)
    first = ux / jnp.maximum(x[:, 0:1], EPS)
    return jnp.concatenate([first, u[:, 1:]], axis=-1)

def expmap0(u, c):
    K = 1.0 / c
    sqrtK = K ** 0.5
    x = u[:, 1:]
    x_norm = jnp.maximum(jnp.linalg.norm(x, axis=-1, keepdims=True), MIN_NORM)
    theta = x_norm / sqrtK
    first = sqrtK * jnp.cosh(theta)
    rest = sqrtK * jnp.sinh(theta) * x / x_norm
    return proj(jnp.concatenate([first, rest], axis=-1), c)

def logmap0(x, c):
    K = 1.0 / c
    sqrtK = K ** 0.5
    y = x[:, 1:]
    y_norm = jnp.maximum(jnp.linalg.norm(y, axis=-1, keepdims=True), MIN_NORM)
    theta = jnp.maximum(x[:, 0:1] / sqrtK, 1.0 + EPS)
    rest = sqrtK * arcosh(theta) * y / y_norm
    return jnp.concatenate([jnp.zeros_like(rest[:, 0:1]), rest], axis=-1)

def sqdist(x, y, c):
    K = 1.0 / c
    prod = minkowski_dot(x, y)
    theta = jnp.maximum(-prod / K, 1.0 + EPS)
    return jnp.minimum(K * arcosh(theta) ** 2, 50.0)

def logmap(x, y, c):
    K = 1.0 / c
    xy = jnp.minimum(minkowski_dot(x, y) + K, -EPS) - K
    u = y + xy * x * c
    normu = jnp.maximum(minkowski_norm(u), MIN_NORM)
    dist = jnp.sqrt(sqdist(x, y, c))
    return dist * u / normu

def ptransp(x, y, v, c):
    logxy = logmap(x, y, c)
    logyx = logmap(y, x, c)
    sq = jnp.maximum(sqdist(x, y, c), MIN_NORM)
    alpha = minkowski_dot(logxy, v) / sq
    res = v - alpha * (logxy + logyx)
    return proj_tan(res, y, c)

def setup_inputs(seed: int = 0) -> dict:
    key = jax.random.key(seed)
    k1, k2, k3, k4 = jax.random.split(key, 4)
    x = 0.1 * jax.random.normal(k1, (N, D), dtype=jnp.float32)
    edge_index = jax.random.randint(k2, (2, E), 0, N, dtype=jnp.int64)
    eps = jnp.asarray(0.0, dtype=jnp.float32)
    W1 = jax.random.normal(k3, (D, D), dtype=jnp.float32) * np.float32(1.0 / np.sqrt(D))
    b1 = jnp.zeros((D,), dtype=jnp.float32)
    W2 = jax.random.normal(k4, (D, D), dtype=jnp.float32) * np.float32(1.0 / np.sqrt(D))
    b2 = jnp.zeros((D,), dtype=jnp.float32)
    return {"x": x, "edge_index": edge_index, "eps": eps, "W1": W1, "b1": b1, "W2": W2, "b2": b2}

def reference(x, edge_index, eps, W1, b1, W2, b2):
    c = 1.0
    # exp_map_zero: lift input features from tangent space at origin onto the hyperboloid
    x_h = expmap0(x, c)
    # LorentzAgg (use_att=False): logmap0 -> spmm(adj, .) -> proj(expmap0(.))
    x_t = logmap0(x_h, c)
    dst = edge_index[0]
    src = edge_index[1]
    support = jax.ops.segment_sum(jnp.take(x_t, src, axis=0), dst, num_segments=N)
    out = proj(expmap0(support, c), c)
    # GIN root-weight combination in hyperbolic space
    x_r = x_h
    log_out = logmap0(out, c)
    log_x_r = logmap0(x_r, c)
    pt_xr = ptransp(x_r, out, log_x_r, c)
    out = expmap0(log_out + (1.0 + eps) * pt_xr, c)
    # self.nn: 2-layer MLP 128 -> 128 -> 128
    h = jax.nn.relu(out @ W1 + b1)
    return h @ W2 + b2

if __name__ == "__main__":
    import jax
    _d = setup_inputs()
    print(jax.jit(kernel)(*tuple(_d.values())))

</pallas_src>

<mosaic_0001>
#map = affine_map<(d0, d1) -> (0, 0)>
#map1 = affine_map<(d0, d1) -> (0, 0, 0, 0)>
#map2 = affine_map<(d0, d1) -> (0, 0, 0)>
module attributes {stable_mosaic.version = 14 : i64} {
  func.func @body(%arg0: i32, %arg1: i32, %arg2: memref<10000x128xf32, #tpu.memory_space<hbm>>, %arg3: memref<2x16x80x128xi32, #tpu.memory_space<hbm>>, %arg4: memref<2x16x80x128xi32, #tpu.memory_space<hbm>>, %arg5: memref<640x128xf32, #tpu.memory_space<hbm>>, %arg6: memref<2x10240x128xf32, #tpu.memory_space<hbm>>, %arg7: memref<8x128xi32, #tpu.memory_space<vmem>>, %arg8: memref<8x128xi32, #tpu.memory_space<vmem>>, %arg9: memref<128x128xf32, #tpu.memory_space<vmem>>, %arg10: memref<128x128xf32, #tpu.memory_space<vmem>>, %arg11: memref<10240x128xf32, #tpu.memory_space<vmem_shared>>, %arg12: memref<!tpu.dma_semaphore, #tpu.memory_space<semaphore_mem>>, %arg13: memref<!tpu.dma_semaphore, #tpu.memory_space<semaphore_mem>>) attributes {dimension_semantics = [#tpu.dimension_semantics<core_parallel>, #tpu.dimension_semantics<subcore_parallel>], iteration_bounds = array<i64: 2, 16>, scalar_prefetch = 0 : i64, scratch_operands = 7 : i64, tpu.core_type = #tpu.core_type<sc_vector_subcore>, window_params = [{transform_indices = #map}, {transform_indices = #map1}, {transform_indices = #map1}, {transform_indices = #map}, {transform_indices = #map2}]} {
    %mul3A = arith.constant 640 : i32
    %mul3A_0 = arith.muli %arg1, %mul3A : i32
    "tpu.region"() ({
      %run_scoped3A = tpu.sem_alloc : memref<!tpu.dma_semaphore, #tpu.memory_space<semaphore_mem>>
      %dma_start3A = arith.constant 0 : i32
      %dma_start3A_16 = tpu.memref_slice %arg11[%mul3A_0, %dma_start3A] : memref<10240x128xf32, #tpu.memory_space<vmem_shared>> -> memref<640x128xf32, #tpu.memory_space<vmem_shared>>
      tpu.enqueue_dma source(%arg5 : memref<640x128xf32, #tpu.memory_space<hbm>>) target(%dma_start3A_16 : memref<640x128xf32, #tpu.memory_space<vmem_shared>>) target_semaphore(%run_scoped3A : memref<!tpu.dma_semaphore, #tpu.memory_space<semaphore_mem>>)
      %dma_wait3A = arith.constant 0 : i32
      %dma_wait3A_17 = tpu.memref_slice %arg11[%mul3A_0, %dma_wait3A] : memref<10240x128xf32, #tpu.memory_space<vmem_shared>> -> memref<640x128xf32, #tpu.memory_space<vmem_shared>>
      tpu.wait_dma2 semaphore(%run_scoped3A : memref<!tpu.dma_semaphore, #tpu.memory_space<semaphore_mem>>) src(%arg5 : memref<640x128xf32, #tpu.memory_space<hbm>>) dst(%dma_wait3A_17 : memref<640x128xf32, #tpu.memory_space<vmem_shared>>)
      tpu.yield
    }) : () -> ()
    %barrier3A = arith.constant 0 : index
    tpu.barrier barrier_id(%barrier3A)
    %while3A = arith.constant 0 : i32
    %while3A_1 = arith.constant 0 : i32
    %while3A_2 = arith.constant 10 : i32
    %while3A_3 = arith.subi %while3A_2, %while3A_1 : i32
    %while3A_4 = arith.addi %while3A_1, %while3A_3 : i32
    %while3A_5 = arith.constant 1 : i32
    %while3A_6 = arith.divsi %while3A_3, %while3A_5 : i32
    %while3A_7 = arith.muli %while3A_6, %while3A_5 : i32
    %while3A_8 = arith.addi %while3A_1, %while3A_7 : i32
    %while3A_9 = arith.constant 1 : i32
    scf.for %while3A_16 = %while3A_1 to %while3A_8 step %while3A_9  : i32 {
      %mul3A_17 = arith.constant 8 : i32
      %mul3A_18 = arith.muli %while3A_16, %mul3A_17 : i32
      %multiple_of3A = tpu.assume_multiple %mul3A_18, 8 : i32
      "tpu.region"() ({
        %run_scoped3A_136 = tpu.sem_alloc : memref<!tpu.dma_semaphore, #tpu.memory_space<semaphore_mem>>
        %dma_start3A_137 = arith.constant 0 : i32
        %dma_start3A_138 = tpu.memref_slice %arg3[%arg0, %arg1, %multiple_of3A, %dma_start3A_137] : memref<2x16x80x128xi32, #tpu.memory_space<hbm>> -> memref<1x1x8x128xi32, #tpu.memory_space<hbm>>
        %dma_start3A_139 = tpu.memref_squeeze %dma_start3A_138 : memref<1x1x8x128xi32, #tpu.memory_space<hbm>> -> memref<8x128xi32, #tpu.memory_space<hbm>>
        %dma_start3A_140 = arith.constant 0 : i32
        %dma_start3A_141 = tpu.memref_slice %arg3[%arg0, %arg1, %multiple_of3A, %dma_start3A_140] : memref<2x16x80x128xi32, #tpu.memory_space<hbm>> -> memref<1x1x8x128xi32, #tpu.memory_space<hbm>>
        %dma_start3A_142 = tpu.memref_squeeze %dma_start3A_141 : memref<1x1x8x128xi32, #tpu.memory_space<hbm>> -> memref<8x128xi32, #tpu.memory_space<hbm>>
        tpu.enqueue_dma source(%dma_start3A_142 : memref<8x128xi32, #tpu.memory_space<hbm>>) target(%arg7 : memref<8x128xi32, #tpu.memory_space<vmem>>) target_semaphore(%run_scoped3A_136 : memref<!tpu.dma_semaphore, #tpu.memory_space<semaphore_mem>>)
        %dma_wait3A_143 = arith.constant 0 : i32
        %dma_wait3A_144 = tpu.memref_slice %arg3[%arg0, %arg1, %multiple_of3A, %dma_wait3A_143] : memref<2x16x80x128xi32, #tpu.memory_space<hbm>> -> memref<1x1x8x128xi32, #tpu.memory_space<hbm>>
        %dma_wait3A_145 = tpu.memref_squeeze %dma_wait3A_144 : memref<1x1x8x128xi32, #tpu.memory_space<hbm>> -> memref<8x128xi32, #tpu.memory_space<hbm>>
        %dma_wait3A_146 = arith.constant 0 : i32
        %dma_wait3A_147 = tpu.memref_slice %arg3[%arg0, %arg1, %multiple_of3A, %dma_wait3A_146] : memref<2x16x80x128xi32, #tpu.memory_space<hbm>> -> memref<1x1x8x128xi32, #tpu.memory_space<hbm>>
        %dma_wait3A_148 = tpu.memref_squeeze %dma_wait3A_147 : memref<1x1x8x128xi32, #tpu.memory_space<hbm>> -> memref<8x128xi32, #tpu.memory_space<hbm>>
        tpu.wait_dma2 semaphore(%run_scoped3A_136 : memref<!tpu.dma_semaphore, #tpu.memory_space<semaphore_mem>>) src(%dma_wait3A_148 : memref<8x128xi32, #tpu.memory_space<hbm>>) dst(%arg7 : memref<8x128xi32, #tpu.memory_space<vmem>>)
        tpu.yield
      }) : () -> ()
      "tpu.region"() ({
        %run_scoped3A_136 = tpu.sem_alloc : memref<!tpu.dma_semaphore, #tpu.memory_space<semaphore_mem>>
        %dma_start3A_137 = arith.constant 0 : i32
        %dma_start3A_138 = tpu.memref_slice %arg4[%arg0, %arg1, %multiple_of3A, %dma_start3A_137] : memref<2x16x80x128xi32, #tpu.memory_space<hbm>> -> memref<1x1x8x128xi32, #tpu.memory_space<hbm>>
        %dma_start3A_139 = tpu.memref_squeeze %dma_start3A_138 : memref<1x1x8x128xi32, #tpu.memory_space<hbm>> -> memref<8x128xi32, #tpu.memory_space<hbm>>
        %dma_start3A_140 = arith.constant 0 : i32
        %dma_start3A_141 = tpu.memref_slice %arg4[%arg0, %arg1, %multiple_of3A, %dma_start3A_140] : memref<2x16x80x128xi32, #tpu.memory_space<hbm>> -> memref<1x1x8x128xi32, #tpu.memory_space<hbm>>
        %dma_start3A_142 = tpu.memref_squeeze %dma_start3A_141 : memref<1x1x8x128xi32, #tpu.memory_space<hbm>> -> memref<8x128xi32, #tpu.memory_space<hbm>>
        tpu.enqueue_dma source(%dma_start3A_142 : memref<8x128xi32, #tpu.memory_space<hbm>>) target(%arg8 : memref<8x128xi32, #tpu.memory_space<vmem>>) target_semaphore(%run_scoped3A_136 : memref<!tpu.dma_semaphore, #tpu.memory_space<semaphore_mem>>)
        %dma_wait3A_143 = arith.constant 0 : i32
        %dma_wait3A_144 = tpu.memref_slice %arg4[%arg0, %arg1, %multiple_of3A, %dma_wait3A_143] : memref<2x16x80x128xi32, #tpu.memory_space<hbm>> -> memref<1x1x8x128xi32, #tpu.memory_space<hbm>>
        %dma_wait3A_145 = tpu.memref_squeeze %dma_wait3A_144 : memref<1x1x8x128xi32, #tpu.memory_space<hbm>> -> memref<8x128xi32, #tpu.memory_space<hbm>>
        %dma_wait3A_146 = arith.constant 0 : i32
        %dma_wait3A_147 = tpu.memref_slice %arg4[%arg0, %arg1, %multiple_of3A, %dma_wait3A_146] : memref<2x16x80x128xi32, #tpu.memory_space<hbm>> -> memref<1x1x8x128xi32, #tpu.memory_space<hbm>>
        %dma_wait3A_148 = tpu.memref_squeeze %dma_wait3A_147 : memref<1x1x8x128xi32, #tpu.memory_space<hbm>> -> memref<8x128xi32, #tpu.memory_space<hbm>>
        tpu.wait_dma2 semaphore(%run_scoped3A_136 : memref<!tpu.dma_semaphore, #tpu.memory_space<semaphore_mem>>) src(%dma_wait3A_148 : memref<8x128xi32, #tpu.memory_space<hbm>>) dst(%arg8 : memref<8x128xi32, #tpu.memory_space<vmem>>)
        tpu.yield
      }) : () -> ()
      %dma_start3A = arith.constant 0 : i32
      %dma_start3A_19 = arith.constant 0 : i32
      %dma_start3A_20 = tpu.memref_slice %arg7[%dma_start3A, %dma_start3A_19] : memref<8x128xi32, #tpu.memory_space<vmem>> -> memref<1x128xi32, #tpu.memory_space<vmem>>
      %dma_start3A_21 = tpu.memref_squeeze %dma_start3A_20 : memref<1x128xi32, #tpu.memory_space<vmem>> -> memref<128xi32, #tpu.memory_space<vmem>>
      %dma_start3A_22 = arith.constant 0 : i32
      %dma_start3A_23 = arith.constant 0 : i32
      %dma_start3A_24 = tpu.memref_slice %arg2[%dma_start3A_22, %dma_start3A_23] : memref<10000x128xf32, #tpu.memory_space<hbm>> -> memref<10000x128xf32, #tpu.memory_space<hbm>>
      tpu.enqueue_indirect_dma source(%dma_start3A_24 : memref<10000x128xf32, #tpu.memory_space<hbm>>) target(%arg9 : memref<128x128xf32, #tpu.memory_space<vmem>>) offsets(%dma_start3A_21 : memref<128xi32, #tpu.memory_space<vmem>>) semaphore(%arg12 : memref<!tpu.dma_semaphore, #tpu.memory_space<semaphore_mem>>)
      %dma_start3A_25 = arith.constant 1 : i32
      %dma_start3A_26 = arith.constant 0 : i32
      %dma_start3A_27 = tpu.memref_slice %arg7[%dma_start3A_25, %dma_start3A_26] : memref<8x128xi32, #tpu.memory_space<vmem>> -> memref<1x128xi32, #tpu.memory_space<vmem>>
      %dma_start3A_28 = tpu.memref_squeeze %dma_start3A_27 : memref<1x128xi32, #tpu.memory_space<vmem>> -> memref<128xi32, #tpu.memory_space<vmem>>
      %dma_start3A_29 = arith.constant 0 : i32
      %dma_start3A_30 = arith.constant 0 : i32
      %dma_start3A_31 = tpu.memref_slice %arg2[%dma_start3A_29, %dma_start3A_30] : memref<10000x128xf32, #tpu.memory_space<hbm>> -> memref<10000x128xf32, #tpu.memory_space<hbm>>
      tpu.enqueue_indirect_dma source(%dma_start3A_31 : memref<10000x128xf32, #tpu.memory_space<hbm>>) target(%arg10 : memref<128x128xf32, #tpu.memory_space<vmem>>) offsets(%dma_start3A_28 : memref<128xi32, #tpu.memory_space<vmem>>) semaphore(%arg13 : memref<!tpu.dma_semaphore, #tpu.memory_space<semaphore_mem>>)
      %dma_wait3A = arith.constant 0 : i32
      %dma_wait3A_32 = arith.constant 0 : i32
      %dma_wait3A_33 = tpu.memref_slice %arg7[%dma_wait3A, %dma_wait3A_32] : memref<8x128xi32, #tpu.memory_space<vmem>> -> memref<1x128xi32, #tpu.memory_space<vmem>>
      %dma_wait3A_34 = tpu.memref_squeeze %dma_wait3A_33 : memref<1x128xi32, #tpu.memory_space<vmem>> -> memref<128xi32, #tpu.memory_space<vmem>>
      %dma_wait3A_35 = arith.constant 0 : i32
      %dma_wait3A_36 = arith.constant 0 : i32
      %dma_wait3A_37 = tpu.memref_slice %arg2[%dma_wait3A_35, %dma_wait3A_36] : memref<10000x128xf32, #tpu.memory_space<hbm>> -> memref<10000x128xf32, #tpu.memory_space<hbm>>
      tpu.wait_indirect_dma semaphore(%arg12 : memref<!tpu.dma_semaphore, #tpu.memory_space<semaphore_mem>>) src(%dma_wait3A_37 : memref<10000x128xf32, #tpu.memory_space<hbm>>) dst(%arg9 : memref<128x128xf32, #tpu.memory_space<vmem>>)
      %run_scoped3A = arith.constant 0 : i32
      "tpu.region"() ({
        %run_scoped3A_136 = tpu.sem_alloc : memref<!tpu.dma_semaphore, #tpu.memory_space<semaphore_mem>>
        %dma_start3A_137 = arith.constant 0 : i32
        %dma_start3A_138 = tpu.memref_slice %arg8[%run_scoped3A, %dma_start3A_137] : memref<8x128xi32, #tpu.memory_space<vmem>> -> memref<1x128xi32, #tpu.memory_space<vmem>>
        %dma_start3A_139 = tpu.memref_squeeze %dma_start3A_138 : memref<1x128xi32, #tpu.memory_space<vmem>> -> memref<128xi32, #tpu.memory_space<vmem>>
        %dma_start3A_140 = arith.constant 0 : i32
        %dma_start3A_141 = arith.constant 0 : i32
        %dma_start3A_142 = tpu.memref_slice %arg11[%dma_start3A_140, %dma_start3A_141] : memref<10240x128xf32, #tpu.memory_space<vmem_shared>> -> memref<10240x128xf32, #tpu.memory_space<vmem_shared>>
        tpu.enqueue_indirect_dma source(%arg9 : memref<128x128xf32, #tpu.memory_space<vmem>>) target(%dma_start3A_142 : memref<10240x128xf32, #tpu.memory_space<vmem_shared>>) offsets(%dma_start3A_139 : memref<128xi32, #tpu.memory_space<vmem>>) semaphore(%run_scoped3A_136 : memref<!tpu.dma_semaphore, #tpu.memory_space<semaphore_mem>>) {add = true}
        %dma_wait3A_143 = arith.constant 0 : i32
        %dma_wait3A_144 = tpu.memref_slice %arg8[%run_scoped3A, %dma_wait3A_143] : memref<8x128xi32, #tpu.memory_space<vmem>> -> memref<1x128xi32, #tpu.memory_space<vmem>>
        %dma_wait3A_145 = tpu.memref_squeeze %dma_wait3A_144 : memref<1x128xi32, #tpu.memory_space<vmem>> -> memref<128xi32, #tpu.memory_space<vmem>>
        %dma_wait3A_146 = arith.constant 0 : i32
        %dma_wait3A_147 = arith.constant 0 : i32
        %dma_wait3A_148 = tpu.memref_slice %arg11[%dma_wait3A_146, %dma_wait3A_147] : memref<10240x128xf32, #tpu.memory_space<vmem_shared>> -> memref<10240x128xf32, #tpu.memory_space<vmem_shared>>
        tpu.wait_indirect_dma semaphore(%run_scoped3A_136 : memref<!tpu.dma_semaphore, #tpu.memory_space<semaphore_mem>>) src(%arg9 : memref<128x128xf32, #tpu.memory_space<vmem>>) dst(%dma_wait3A_148 : memref<10240x128xf32, #tpu.memory_space<vmem_shared>>)
        tpu.yield
      }) : () -> ()
      %dma_start3A_38 = arith.constant 2 : i32
      %dma_start3A_39 = arith.constant 0 : i32
      %dma_start3A_40 = tpu.memref_slice %arg7[%dma_start3A_38, %dma_start3A_39] : memref<8x128xi32, #tpu.memory_space<vmem>> -> memref<1x128xi32, #tpu.memory_space<vmem>>
      %dma_start3A_41 = tpu.memref_squeeze %dma_start3A_40 : memref<1x128xi32, #tpu.memory_space<vmem>> -> memref<128xi32, #tpu.memory_space<vmem>>
      %dma_start3A_42 = arith.constant 0 : i32
      %dma_start3A_43 = arith.constant 0 : i32
      %dma_start3A_44 = tpu.memref_slice %arg2[%dma_start3A_42, %dma_start3A_43] : memref<10000x128xf32, #tpu.memory_space<hbm>> -> memref<10000x128xf32, #tpu.memory_space<hbm>>
      tpu.enqueue_indirect_dma source(%dma_start3A_44 : memref<10000x128xf32, #tpu.memory_space<hbm>>) target(%arg9 : memref<128x128xf32, #tpu.memory_space<vmem>>) offsets(%dma_start3A_41 : memref<128xi32, #tpu.memory_space<vmem>>) semaphore(%arg12 : memref<!tpu.dma_semaphore, #tpu.memory_space<semaphore_mem>>)
      %dma_wait3A_45 = arith.constant 1 : i32
      %dma_wait3A_46 = arith.constant 0 : i32
      %dma_wait3A_47 = tpu.memref_slice %arg7[%dma_wait3A_45, %dma_wait3A_46] : memref<8x128xi32, #tpu.memory_space<vmem>> -> memref<1x128xi32, #tpu.memory_space<vmem>>
      %dma_wait3A_48 = tpu.memref_squeeze %dma_wait3A_47 : memref<1x128xi32, #tpu.memory_space<vmem>> -> memref<128xi32, #tpu.memory_space<vmem>>
      %dma_wait3A_49 = arith.constant 0 : i32
      %dma_wait3A_50 = arith.constant 0 : i32
      %dma_wait3A_51 = tpu.memref_slice %arg2[%dma_wait3A_49, %dma_wait3A_50] : memref<10000x128xf32, #tpu.memory_space<hbm>> -> memref<10000x128xf32, #tpu.memory_space<hbm>>
      tpu.wait_indirect_dma semaphore(%arg13 : memref<!tpu.dma_semaphore, #tpu.memory_space<semaphore_mem>>) src(%dma_wait3A_51 : memref<10000x128xf32, #tpu.memory_space<hbm>>) dst(%arg10 : memref<128x128xf32, #tpu.memory_space<vmem>>)
      %run_scoped3A_52 = arith.constant 1 : i32
      "tpu.region"() ({
        %run_scoped3A_136 = tpu.sem_alloc : memref<!tpu.dma_semaphore, #tpu.memory_space<semaphore_mem>>
        %dma_start3A_137 = arith.constant 0 : i32
        %dma_start3A_138 = tpu.memref_slice %arg8[%run_scoped3A_52, %dma_start3A_137] : memref<8x128xi32, #tpu.memory_space<vmem>> -> memref<1x128xi32, #tpu.memory_space<vmem>>
        %dma_start3A_139 = tpu.memref_squeeze %dma_start3A_138 : memref<1x128xi32, #tpu.memory_space<vmem>> -> memref<128xi32, #tpu.memory_space<vmem>>
        %dma_start3A_140 = arith.constant 0 : i32
        %dma_start3A_141 = arith.constant 0 : i32
        %dma_start3A_142 = tpu.memref_slice %arg11[%dma_start3A_140, %dma_start3A_141] : memref<10240x128xf32, #tpu.memory_space<vmem_shared>> -> memref<10240x128xf32, #tpu.memory_space<vmem_shared>>
        tpu.enqueue_indirect_dma source(%arg10 : memref<128x128xf32, #tpu.memory_space<vmem>>) target(%dma_start3A_142 : memref<10240x128xf32, #tpu.memory_space<vmem_shared>>) offsets(%dma_start3A_139 : memref<128xi32, #tpu.memory_space<vmem>>) semaphore(%run_scoped3A_136 : memref<!tpu.dma_semaphore, #tpu.memory_space<semaphore_mem>>) {add = true}
        %dma_wait3A_143 = arith.constant 0 : i32
        %dma_wait3A_144 = tpu.memref_slice %arg8[%run_scoped3A_52, %dma_wait3A_143] : memref<8x128xi32, #tpu.memory_space<vmem>> -> memref<1x128xi32, #tpu.memory_space<vmem>>
        %dma_wait3A_145 = tpu.memref_squeeze %dma_wait3A_144 : memref<1x128xi32, #tpu.memory_space<vmem>> -> memref<128xi32, #tpu.memory_space<vmem>>
        %dma_wait3A_146 = arith.constant 0 : i32
        %dma_wait3A_147 = arith.constant 0 : i32
        %dma_wait3A_148 = tpu.memref_slice %arg11[%dma_wait3A_146, %dma_wait3A_147] : memref<10240x128xf32, #tpu.memory_space<vmem_shared>> -> memref<10240x128xf32, #tpu.memory_space<vmem_shared>>
        tpu.wait_indirect_dma semaphore(%run_scoped3A_136 : memref<!tpu.dma_semaphore, #tpu.memory_space<semaphore_mem>>) src(%arg10 : memref<128x128xf32, #tpu.memory_space<vmem>>) dst(%dma_wait3A_148 : memref<10240x128xf32, #tpu.memory_space<vmem_shared>>)
        tpu.yield
      }) : () -> ()
      %dma_start3A_53 = arith.constant 3 : i32
      %dma_start3A_54 = arith.constant 0 : i32
      %dma_start3A_55 = tpu.memref_slice %arg7[%dma_start3A_53, %dma_start3A_54] : memref<8x128xi32, #tpu.memory_space<vmem>> -> memref<1x128xi32, #tpu.memory_space<vmem>>
      %dma_start3A_56 = tpu.memref_squeeze %dma_start3A_55 : memref<1x128xi32, #tpu.memory_space<vmem>> -> memref<128xi32, #tpu.memory_space<vmem>>
      %dma_start3A_57 = arith.constant 0 : i32
      %dma_start3A_58 = arith.constant 0 : i32
      %dma_start3A_59 = tpu.memref_slice %arg2[%dma_start3A_57, %dma_start3A_58] : memref<10000x128xf32, #tpu.memory_space<hbm>> -> memref<10000x128xf32, #tpu.memory_space<hbm>>
      tpu.enqueue_indirect_dma source(%dma_start3A_59 : memref<10000x128xf32, #tpu.memory_space<hbm>>) target(%arg10 : memref<128x128xf32, #tpu.memory_space<vmem>>) offsets(%dma_start3A_56 : memref<128xi32, #tpu.memory_space<vmem>>) semaphore(%arg13 : memref<!tpu.dma_semaphore, #tpu.memory_space<semaphore_mem>>)
      %dma_wait3A_60 = arith.constant 2 : i32
      %dma_wait3A_61 = arith.constant 0 : i32
      %dma_wait3A_62 = tpu.memref_slice %arg7[%dma_wait3A_60, %dma_wait3A_61] : memref<8x128xi32, #tpu.memory_space<vmem>> -> memref<1x128xi32, #tpu.memory_space<vmem>>
      %dma_wait3A_63 = tpu.memref_squeeze %dma_wait3A_62 : memref<1x128xi32, #tpu.memory_space<vmem>> -> memref<128xi32, #tpu.memory_space<vmem>>
      %dma_wait3A_64 = arith.constant 0 : i32
      %dma_wait3A_65 = arith.constant 0 : i32
      %dma_wait3A_66 = tpu.memref_slice %arg2[%dma_wait3A_64, %dma_wait3A_65] : memref<10000x128xf32, #tpu.memory_space<hbm>> -> memref<10000x128xf32, #tpu.memory_space<hbm>>
      tpu.wait_indirect_dma semaphore(%arg12 : memref<!tpu.dma_semaphore, #tpu.memory_space<semaphore_mem>>) src(%dma_wait3A_66 : memref<10000x128xf32, #tpu.memory_space<hbm>>) dst(%arg9 : memref<128x128xf32, #tpu.memory_space<vmem>>)
      %run_scoped3A_67 = arith.constant 2 : i32
      "tpu.region"() ({
        %run_scoped3A_136 = tpu.sem_alloc : memref<!tpu.dma_semaphore, #tpu.memory_space<semaphore_mem>>
        %dma_start3A_137 = arith.constant 0 : i32
        %dma_start3A_138 = tpu.memref_slice %arg8[%run_scoped3A_67, %dma_start3A_137] : memref<8x128xi32, #tpu.memory_space<vmem>> -> memref<1x128xi32, #tpu.memory_space<vmem>>
        %dma_start3A_139 = tpu.memref_squeeze %dma_start3A_138 : memref<1x128xi32, #tpu.memory_space<vmem>> -> memref<128xi32, #tpu.memory_space<vmem>>
        %dma_start3A_140 = arith.constant 0 : i32
        %dma_start3A_141 = arith.constant 0 : i32
        %dma_start3A_142 = tpu.memref_slice %arg11[%dma_start3A_140, %dma_start3A_141] : memref<10240x128xf32, #tpu.memory_space<vmem_shared>> -> memref<10240x128xf32, #tpu.memory_space<vmem_shared>>
        tpu.enqueue_indirect_dma source(%arg9 : memref<128x128xf32, #tpu.memory_space<vmem>>) target(%dma_start3A_142 : memref<10240x128xf32, #tpu.memory_space<vmem_shared>>) offsets(%dma_start3A_139 : memref<128xi32, #tpu.memory_space<vmem>>) semaphore(%run_scoped3A_136 : memref<!tpu.dma_semaphore, #tpu.memory_space<semaphore_mem>>) {add = true}
        %dma_wait3A_143 = arith.constant 0 : i32
        %dma_wait3A_144 = tpu.memref_slice %arg8[%run_scoped3A_67, %dma_wait3A_143] : memref<8x128xi32, #tpu.memory_space<vmem>> -> memref<1x128xi32, #tpu.memory_space<vmem>>
        %dma_wait3A_145 = tpu.memref_squeeze %dma_wait3A_144 : memref<1x128xi32, #tpu.memory_space<vmem>> -> memref<128xi32, #tpu.memory_space<vmem>>
        %dma_wait3A_146 = arith.constant 0 : i32
        %dma_wait3A_147 = arith.constant 0 : i32
        %dma_wait3A_148 = tpu.memref_slice %arg11[%dma_wait3A_146, %dma_wait3A_147] : memref<10240x128xf32, #tpu.memory_space<vmem_shared>> -> memref<10240x128xf32, #tpu.memory_space<vmem_shared>>
        tpu.wait_indirect_dma semaphore(%run_scoped3A_136 : memref<!tpu.dma_semaphore, #tpu.memory_space<semaphore_mem>>) src(%arg9 : memref<128x128xf32, #tpu.memory_space<vmem>>) dst(%dma_wait3A_148 : memref<10240x128xf32, #tpu.memory_space<vmem_shared>>)
        tpu.yield
      }) : () -> ()
      %dma_start3A_68 = arith.constant 4 : i32
      %dma_start3A_69 = arith.constant 0 : i32
      %dma_start3A_70 = tpu.memref_slice %arg7[%dma_start3A_68, %dma_start3A_69] : memref<8x128xi32, #tpu.memory_space<vmem>> -> memref<1x128xi32, #tpu.memory_space<vmem>>
      %dma_start3A_71 = tpu.memref_squeeze %dma_start3A_70 : memref<1x128xi32, #tpu.memory_space<vmem>> -> memref<128xi32, #tpu.memory_space<vmem>>
      %dma_start3A_72 = arith.constant 0 : i32
      %dma_start3A_73 = arith.constant 0 : i32
      %dma_start3A_74 = tpu.memref_slice %arg2[%dma_start3A_72, %dma_start3A_73] : memref<10000x128xf32, #tpu.memory_space<hbm>> -> memref<10000x128xf32, #tpu.memory_space<hbm>>
      tpu.enqueue_indirect_dma source(%dma_start3A_74 : memref<10000x128xf32, #tpu.memory_space<hbm>>) target(%arg9 : memref<128x128xf32, #tpu.memory_space<vmem>>) offsets(%dma_start3A_71 : memref<128xi32, #tpu.memory_space<vmem>>) semaphore(%arg12 : memref<!tpu.dma_semaphore, #tpu.memory_space<semaphore_mem>>)
      %dma_wait3A_75 = arith.constant 3 : i32
      %dma_wait3A_76 = arith.constant 0 : i32
      %dma_wait3A_77 = tpu.memref_slice %arg7[%dma_wait3A_75, %dma_wait3A_76] : memref<8x128xi32, #tpu.memory_space<vmem>> -> memref<1x128xi32, #tpu.memory_space<vmem>>
      %dma_wait3A_78 = tpu.memref_squeeze %dma_wait3A_77 : memref<1x128xi32, #tpu.memory_space<vmem>> -> memref<128xi32, #tpu.memory_space<vmem>>
      %dma_wait3A_79 = arith.constant 0 : i32
      %dma_wait3A_80 = arith.constant 0 : i32
      %dma_wait3A_81 = tpu.memref_slice %arg2[%dma_wait3A_79, %dma_wait3A_80] : memref<10000x128xf32, #tpu.memory_space<hbm>> -> memref<10000x128xf32, #tpu.memory_space<hbm>>
      tpu.wait_indirect_dma semaphore(%arg13 : memref<!tpu.dma_semaphore, #tpu.memory_space<semaphore_mem>>) src(%dma_wait3A_81 : memref<10000x128xf32, #tpu.memory_space<hbm>>) dst(%arg10 : memref<128x128xf32, #tpu.memory_space<vmem>>)
      %run_scoped3A_82 = arith.constant 3 : i32
      "tpu.region"() ({
        %run_scoped3A_136 = tpu.sem_alloc : memref<!tpu.dma_semaphore, #tpu.memory_space<semaphore_mem>>
        %dma_start3A_137 = arith.constant 0 : i32
        %dma_start3A_138 = tpu.memref_slice %arg8[%run_scoped3A_82, %dma_start3A_137] : memref<8x128xi32, #tpu.memory_space<vmem>> -> memref<1x128xi32, #tpu.memory_space<vmem>>
        %dma_start3A_139 = tpu.memref_squeeze %dma_start3A_138 : memref<1x128xi32, #tpu.memory_space<vmem>> -> memref<128xi32, #tpu.memory_space<vmem>>
        %dma_start3A_140 = arith.constant 0 : i32
        %dma_start3A_141 = arith.constant 0 : i32
        %dma_start3A_142 = tpu.memref_slice %arg11[%dma_start3A_140, %dma_start3A_141] : memref<10240x128xf32, #tpu.memory_space<vmem_shared>> -> memref<10240x128xf32, #tpu.memory_space<vmem_shared>>
        tpu.enqueue_indirect_dma source(%arg10 : memref<128x128xf32, #tpu.memory_space<vmem>>) target(%dma_start3A_142 : memref<10240x128xf32, #tpu.memory_space<vmem_shared>>) offsets(%dma_start3A_139 : memref<128xi32, #tpu.memory_space<vmem>>) semaphore(%run_scoped3A_136 : memref<!tpu.dma_semaphore, #tpu.memory_space<semaphore_mem>>) {add = true}
        %dma_wait3A_143 = arith.constant 0 : i32
        %dma_wait3A_144 = tpu.memref_slice %arg8[%run_scoped3A_82, %dma_wait3A_143] : memref<8x128xi32, #tpu.memory_space<vmem>> -> memref<1x128xi32, #tpu.memory_space<vmem>>
        %dma_wait3A_145 = tpu.memref_squeeze %dma_wait3A_144 : memref<1x128xi32, #tpu.memory_space<vmem>> -> memref<128xi32, #tpu.memory_space<vmem>>
        %dma_wait3A_146 = arith.constant 0 : i32
        %dma_wait3A_147 = arith.constant 0 : i32
        %dma_wait3A_148 = tpu.memref_slice %arg11[%dma_wait3A_146, %dma_wait3A_147] : memref<10240x128xf32, #tpu.memory_space<vmem_shared>> -> memref<10240x128xf32, #tpu.memory_space<vmem_shared>>
        tpu.wait_indirect_dma semaphore(%run_scoped3A_136 : memref<!tpu.dma_semaphore, #tpu.memory_space<semaphore_mem>>) src(%arg10 : memref<128x128xf32, #tpu.memory_space<vmem>>) dst(%dma_wait3A_148 : memref<10240x128xf32, #tpu.memory_space<vmem_shared>>)
        tpu.yield
      }) : () -> ()
      %dma_start3A_83 = arith.constant 5 : i32
      %dma_start3A_84 = arith.constant 0 : i32
      %dma_start3A_85 = tpu.memref_slice %arg7[%dma_start3A_83, %dma_start3A_84] : memref<8x128xi32, #tpu.memory_space<vmem>> -> memref<1x128xi32, #tpu.memory_space<vmem>>
      %dma_start3A_86 = tpu.memref_squeeze %dma_start3A_85 : memref<1x128xi32, #tpu.memory_space<vmem>> -> memref<128xi32, #tpu.memory_space<vmem>>
      %dma_start3A_87 = arith.constant 0 : i32
      %dma_start3A_88 = arith.constant 0 : i32
      %dma_start3A_89 = tpu.memref_slice %arg2[%dma_start3A_87, %dma_start3A_88] : memref<10000x128xf32, #tpu.memory_space<hbm>> -> memref<10000x128xf32, #tpu.memory_space<hbm>>
      tpu.enqueue_indirect_dma source(%dma_start3A_89 : memref<10000x128xf32, #tpu.memory_space<hbm>>) target(%arg10 : memref<128x128xf32, #tpu.memory_space<vmem>>) offsets(%dma_start3A_86 : memref<128xi32, #tpu.memory_space<vmem>>) semaphore(%arg13 : memref<!tpu.dma_semaphore, #tpu.memory_space<semaphore_mem>>)
      %dma_wait3A_90 = arith.constant 4 : i32
      %dma_wait3A_91 = arith.constant 0 : i32
      %dma_wait3A_92 = tpu.memref_slice %arg7[%dma_wait3A_90, %dma_wait3A_91] : memref<8x128xi32, #tpu.memory_space<vmem>> -> memref<1x128xi32, #tpu.memory_space<vmem>>
      %dma_wait3A_93 = tpu.memref_squeeze %dma_wait3A_92 : memref<1x128xi32, #tpu.memory_space<vmem>> -> memref<128xi32, #tpu.memory_space<vmem>>
      %dma_wait3A_94 = arith.constant 0 : i32
      %dma_wait3A_95 = arith.constant 0 : i32
      %dma_wait3A_96 = tpu.memref_slice %arg2[%dma_wait3A_94, %dma_wait3A_95] : memref<10000x128xf32, #tpu.memory_space<hbm>> -> memref<10000x128xf32, #tpu.memory_space<hbm>>
      tpu.wait_indirect_dma semaphore(%arg12 : memref<!tpu.dma_semaphore, #tpu.memory_space<semaphore_mem>>) src(%dma_wait3A_96 : memref<10000x128xf32, #tpu.memory_space<hbm>>) dst(%arg9 : memref<128x128xf32, #tpu.memory_space<vmem>>)
      %run_scoped3A_97 = arith.constant 4 : i32
      "tpu.region"() ({
        %run_scoped3A_136 = tpu.sem_alloc : memref<!tpu.dma_semaphore, #tpu.memory_space<semaphore_mem>>
        %dma_start3A_137 = arith.constant 0 : i32
        %dma_start3A_138 = tpu.memref_slice %arg8[%run_scoped3A_97, %dma_start3A_137] : memref<8x128xi32, #tpu.memory_space<vmem>> -> memref<1x128xi32, #tpu.memory_space<vmem>>
        %dma_start3A_139 = tpu.memref_squeeze %dma_start3A_138 : memref<1x128xi32, #tpu.memory_space<vmem>> -> memref<128xi32, #tpu.memory_space<vmem>>
        %dma_start3A_140 = arith.constant 0 : i32
        %dma_start3A_141 = arith.constant 0 : i32
        %dma_start3A_142 = tpu.memref_slice %arg11[%dma_start3A_140, %dma_start3A_141] : memref<10240x128xf32, #tpu.memory_space<vmem_shared>> -> memref<10240x128xf32, #tpu.memory_space<vmem_shared>>
        tpu.enqueue_indirect_dma source(%arg9 : memref<128x128xf32, #tpu.memory_space<vmem>>) target(%dma_start3A_142 : memref<10240x128xf32, #tpu.memory_space<vmem_shared>>) offsets(%dma_start3A_139 : memref<128xi32, #tpu.memory_space<vmem>>) semaphore(%run_scoped3A_136 : memref<!tpu.dma_semaphore, #tpu.memory_space<semaphore_mem>>) {add = true}
        %dma_wait3A_143 = arith.constant 0 : i32
        %dma_wait3A_144 = tpu.memref_slice %arg8[%run_scoped3A_97, %dma_wait3A_143] : memref<8x128xi32, #tpu.memory_space<vmem>> -> memref<1x128xi32, #tpu.memory_space<vmem>>
        %dma_wait3A_145 = tpu.memref_squeeze %dma_wait3A_144 : memref<1x128xi32, #tpu.memory_space<vmem>> -> memref<128xi32, #tpu.memory_space<vmem>>
        %dma_wait3A_146 = arith.constant 0 : i32
        %dma_wait3A_147 = arith.constant 0 : i32
        %dma_wait3A_148 = tpu.memref_slice %arg11[%dma_wait3A_146, %dma_wait3A_147] : memref<10240x128xf32, #tpu.memory_space<vmem_shared>> -> memref<10240x128xf32, #tpu.memory_space<vmem_shared>>
        tpu.wait_indirect_dma semaphore(%run_scoped3A_136 : memref<!tpu.dma_semaphore, #tpu.memory_space<semaphore_mem>>) src(%arg9 : memref<128x128xf32, #tpu.memory_space<vmem>>) dst(%dma_wait3A_148 : memref<10240x128xf32, #tpu.memory_space<vmem_shared>>)
        tpu.yield
      }) : () -> ()
      %dma_start3A_98 = arith.constant 6 : i32
      %dma_start3A_99 = arith.constant 0 : i32
      %dma_start3A_100 = tpu.memref_slice %arg7[%dma_start3A_98, %dma_start3A_99] : memref<8x128xi32, #tpu.memory_space<vmem>> -> memref<1x128xi32, #tpu.memory_space<vmem>>
      %dma_start3A_101 = tpu.memref_squeeze %dma_start3A_100 : memref<1x128xi32, #tpu.memory_space<vmem>> -> memref<128xi32, #tpu.memory_space<vmem>>
      %dma_start3A_102 = arith.constant 0 : i32
      %dma_start3A_103 = arith.constant 0 : i32
      %dma_start3A_104 = tpu.memref_slice %arg2[%dma_start3A_102, %dma_start3A_103] : memref<10000x128xf32, #tpu.memory_space<hbm>> -> memref<10000x128xf32, #tpu.memory_space<hbm>>
      tpu.enqueue_indirect_dma source(%dma_start3A_104 : memref<10000x128xf32, #tpu.memory_space<hbm>>) target(%arg9 : memref<128x128xf32, #tpu.memory_space<vmem>>) offsets(%dma_start3A_101 : memref<128xi32, #tpu.memory_space<vmem>>) semaphore(%arg12 : memref<!tpu.dma_semaphore, #tpu.memory_space<semaphore_mem>>)
      %dma_wait3A_105 = arith.constant 5 : i32
      %dma_wait3A_106 = arith.constant 0 : i32
      %dma_wait3A_107 = tpu.memref_slice %arg7[%dma_wait3A_105, %dma_wait3A_106] : memref<8x128xi32, #tpu.memory_space<vmem>> -> memref<1x128xi32, #tpu.memory_space<vmem>>
      %dma_wait3A_108 = tpu.memref_squeeze %dma_wait3A_107 : memref<1x128xi32, #tpu.memory_space<vmem>> -> memref<128xi32, #tpu.memory_space<vmem>>
      %dma_wait3A_109 = arith.constant 0 : i32
      %dma_wait3A_110 = arith.constant 0 : i32
      %dma_wait3A_111 = tpu.memref_slice %arg2[%dma_wait3A_109, %dma_wait3A_110] : memref<10000x128xf32, #tpu.memory_space<hbm>> -> memref<10000x128xf32, #tpu.memory_space<hbm>>
      tpu.wait_indirect_dma semaphore(%arg13 : memref<!tpu.dma_semaphore, #tpu.memory_space<semaphore_mem>>) src(%dma_wait3A_111 : memref<10000x128xf32, #tpu.memory_space<hbm>>) dst(%arg10 : memref<128x128xf32, #tpu.memory_space<vmem>>)
      %run_scoped3A_112 = arith.constant 5 : i32
      "tpu.region"() ({
        %run_scoped3A_136 = tpu.sem_alloc : memref<!tpu.dma_semaphore, #tpu.memory_space<semaphore_mem>>
        %dma_start3A_137 = arith.constant 0 : i32
        %dma_start3A_138 = tpu.memref_slice %arg8[%run_scoped3A_112, %dma_start3A_137] : memref<8x128xi32, #tpu.memory_space<vmem>> -> memref<1x128xi32, #tpu.memory_space<vmem>>
        %dma_start3A_139 = tpu.memref_squeeze %dma_start3A_138 : memref<1x128xi32, #tpu.memory_space<vmem>> -> memref<128xi32, #tpu.memory_space<vmem>>
        %dma_start3A_140 = arith.constant 0 : i32
        %dma_start3A_141 = arith.constant 0 : i32
        %dma_start3A_142 = tpu.memref_slice %arg11[%dma_start3A_140, %dma_start3A_141] : memref<10240x128xf32, #tpu.memory_space<vmem_shared>> -> memref<10240x128xf32, #tpu.memory_space<vmem_shared>>
        tpu.enqueue_indirect_dma source(%arg10 : memref<128x128xf32, #tpu.memory_space<vmem>>) target(%dma_start3A_142 : memref<10240x128xf32, #tpu.memory_space<vmem_shared>>) offsets(%dma_start3A_139 : memref<128xi32, #tpu.memory_space<vmem>>) semaphore(%run_scoped3A_136 : memref<!tpu.dma_semaphore, #tpu.memory_space<semaphore_mem>>) {add = true}
        %dma_wait3A_143 = arith.constant 0 : i32
        %dma_wait3A_144 = tpu.memref_slice %arg8[%run_scoped3A_112, %dma_wait3A_143] : memref<8x128xi32, #tpu.memory_space<vmem>> -> memref<1x128xi32, #tpu.memory_space<vmem>>
        %dma_wait3A_145 = tpu.memref_squeeze %dma_wait3A_144 : memref<1x128xi32, #tpu.memory_space<vmem>> -> memref<128xi32, #tpu.memory_space<vmem>>
        %dma_wait3A_146 = arith.constant 0 : i32
        %dma_wait3A_147 = arith.constant 0 : i32
        %dma_wait3A_148 = tpu.memref_slice %arg11[%dma_wait3A_146, %dma_wait3A_147] : memref<10240x128xf32, #tpu.memory_space<vmem_shared>> -> memref<10240x128xf32, #tpu.memory_space<vmem_shared>>
        tpu.wait_indirect_dma semaphore(%run_scoped3A_136 : memref<!tpu.dma_semaphore, #tpu.memory_space<semaphore_mem>>) src(%arg10 : memref<128x128xf32, #tpu.memory_space<vmem>>) dst(%dma_wait3A_148 : memref<10240x128xf32, #tpu.memory_space<vmem_shared>>)
        tpu.yield
      }) : () -> ()
      %dma_start3A_113 = arith.constant 7 : i32
      %dma_start3A_114 = arith.constant 0 : i32
      %dma_start3A_115 = tpu.memref_slice %arg7[%dma_start3A_113, %dma_start3A_114] : memref<8x128xi32, #tpu.memory_space<vmem>> -> memref<1x128xi32, #tpu.memory_space<vmem>>
      %dma_start3A_116 = tpu.memref_squeeze %dma_start3A_115 : memref<1x128xi32, #tpu.memory_space<vmem>> -> memref<128xi32, #tpu.memory_space<vmem>>
      %dma_start3A_117 = arith.constant 0 : i32
      %dma_start3A_118 = arith.constant 0 : i32
      %dma_start3A_119 = tpu.memref_slice %arg2[%dma_start3A_117, %dma_start3A_118] : memref<10000x128xf32, #tpu.memory_space<hbm>> -> memref<10000x128xf32, #tpu.memory_space<hbm>>
      tpu.enqueue_indirect_dma source(%dma_start3A_119 : memref<10000x128xf32, #tpu.memory_space<hbm>>) target(%arg10 : memref<128x128xf32, #tpu.memory_space<vmem>>) offsets(%dma_start3A_116 : memref<128xi32, #tpu.memory_space<vmem>>) semaphore(%arg13 : memref<!tpu.dma_semaphore, #tpu.memory_space<semaphore_mem>>)
      %dma_wait3A_120 = arith.constant 6 : i32
      %dma_wait3A_121 = arith.constant 0 : i32
      %dma_wait3A_122 = tpu.memref_slice %arg7[%dma_wait3A_120, %dma_wait3A_121] : memref<8x128xi32, #tpu.memory_space<vmem>> -> memref<1x128xi32, #tpu.memory_space<vmem>>
      %dma_wait3A_123 = tpu.memref_squeeze %dma_wait3A_122 : memref<1x128xi32, #tpu.memory_space<vmem>> -> memref<128xi32, #tpu.memory_space<vmem>>
      %dma_wait3A_124 = arith.constant 0 : i32
      %dma_wait3A_125 = arith.constant 0 : i32
      %dma_wait3A_126 = tpu.memref_slice %arg2[%dma_wait3A_124, %dma_wait3A_125] : memref<10000x128xf32, #tpu.memory_space<hbm>> -> memref<10000x128xf32, #tpu.memory_space<hbm>>
      tpu.wait_indirect_dma semaphore(%arg12 : memref<!tpu.dma_semaphore, #tpu.memory_space<semaphore_mem>>) src(%dma_wait3A_126 : memref<10000x128xf32, #tpu.memory_space<hbm>>) dst(%arg9 : memref<128x128xf32, #tpu.memory_space<vmem>>)
      %run_scoped3A_127 = arith.constant 6 : i32
      "tpu.region"() ({
        %run_scoped3A_136 = tpu.sem_alloc : memref<!tpu.dma_semaphore, #tpu.memory_space<semaphore_mem>>
        %dma_start3A_137 = arith.constant 0 : i32
        %dma_start3A_138 = tpu.memref_slice %arg8[%run_scoped3A_127, %dma_start3A_137] : memref<8x128xi32, #tpu.memory_space<vmem>> -> memref<1x128xi32, #tpu.memory_space<vmem>>
        %dma_start3A_139 = tpu.memref_squeeze %dma_start3A_138 : memref<1x128xi32, #tpu.memory_space<vmem>> -> memref<128xi32, #tpu.memory_space<vmem>>
        %dma_start3A_140 = arith.constant 0 : i32
        %dma_start3A_141 = arith.constant 0 : i32
        %dma_start3A_142 = tpu.memref_slice %arg11[%dma_start3A_140, %dma_start3A_141] : memref<10240x128xf32, #tpu.memory_space<vmem_shared>> -> memref<10240x128xf32, #tpu.memory_space<vmem_shared>>
        tpu.enqueue_indirect_dma source(%arg9 : memref<128x128xf32, #tpu.memory_space<vmem>>) target(%dma_start3A_142 : memref<10240x128xf32, #tpu.memory_space<vmem_shared>>) offsets(%dma_start3A_139 : memref<128xi32, #tpu.memory_space<vmem>>) semaphore(%run_scoped3A_136 : memref<!tpu.dma_semaphore, #tpu.memory_space<semaphore_mem>>) {add = true}
        %dma_wait3A_143 = arith.constant 0 : i32
        %dma_wait3A_144 = tpu.memref_slice %arg8[%run_scoped3A_127, %dma_wait3A_143] : memref<8x128xi32, #tpu.memory_space<vmem>> -> memref<1x128xi32, #tpu.memory_space<vmem>>
        %dma_wait3A_145 = tpu.memref_squeeze %dma_wait3A_144 : memref<1x128xi32, #tpu.memory_space<vmem>> -> memref<128xi32, #tpu.memory_space<vmem>>
        %dma_wait3A_146 = arith.constant 0 : i32
        %dma_wait3A_147 = arith.constant 0 : i32
        %dma_wait3A_148 = tpu.memref_slice %arg11[%dma_wait3A_146, %dma_wait3A_147] : memref<10240x128xf32, #tpu.memory_space<vmem_shared>> -> memref<10240x128xf32, #tpu.memory_space<vmem_shared>>
        tpu.wait_indirect_dma semaphore(%run_scoped3A_136 : memref<!tpu.dma_semaphore, #tpu.memory_space<semaphore_mem>>) src(%arg9 : memref<128x128xf32, #tpu.memory_space<vmem>>) dst(%dma_wait3A_148 : memref<10240x128xf32, #tpu.memory_space<vmem_shared>>)
        tpu.yield
      }) : () -> ()
      %dma_wait3A_128 = arith.constant 7 : i32
      %dma_wait3A_129 = arith.constant 0 : i32
      %dma_wait3A_130 = tpu.memref_slice %arg7[%dma_wait3A_128, %dma_wait3A_129] : memref<8x128xi32, #tpu.memory_space<vmem>> -> memref<1x128xi32, #tpu.memory_space<vmem>>
      %dma_wait3A_131 = tpu.memref_squeeze %dma_wait3A_130 : memref<1x128xi32, #tpu.memory_space<vmem>> -> memref<128xi32, #tpu.memory_space<vmem>>
      %dma_wait3A_132 = arith.constant 0 : i32
      %dma_wait3A_133 = arith.constant 0 : i32
      %dma_wait3A_134 = tpu.memref_slice %arg2[%dma_wait3A_132, %dma_wait3A_133] : memref<10000x128xf32, #tpu.memory_space<hbm>> -> memref<10000x128xf32, #tpu.memory_space<hbm>>
      tpu.wait_indirect_dma semaphore(%arg13 : memref<!tpu.dma_semaphore, #tpu.memory_space<semaphore_mem>>) src(%dma_wait3A_134 : memref<10000x128xf32, #tpu.memory_space<hbm>>) dst(%arg10 : memref<128x128xf32, #tpu.memory_space<vmem>>)
      %run_scoped3A_135 = arith.constant 7 : i32
      "tpu.region"() ({
        %run_scoped3A_136 = tpu.sem_alloc : memref<!tpu.dma_semaphore, #tpu.memory_space<semaphore_mem>>
        %dma_start3A_137 = arith.constant 0 : i32
        %dma_start3A_138 = tpu.memref_slice %arg8[%run_scoped3A_135, %dma_start3A_137] : memref<8x128xi32, #tpu.memory_space<vmem>> -> memref<1x128xi32, #tpu.memory_space<vmem>>
        %dma_start3A_139 = tpu.memref_squeeze %dma_start3A_138 : memref<1x128xi32, #tpu.memory_space<vmem>> -> memref<128xi32, #tpu.memory_space<vmem>>
        %dma_start3A_140 = arith.constant 0 : i32
        %dma_start3A_141 = arith.constant 0 : i32
        %dma_start3A_142 = tpu.memref_slice %arg11[%dma_start3A_140, %dma_start3A_141] : memref<10240x128xf32, #tpu.memory_space<vmem_shared>> -> memref<10240x128xf32, #tpu.memory_space<vmem_shared>>
        tpu.enqueue_indirect_dma source(%arg10 : memref<128x128xf32, #tpu.memory_space<vmem>>) target(%dma_start3A_142 : memref<10240x128xf32, #tpu.memory_space<vmem_shared>>) offsets(%dma_start3A_139 : memref<128xi32, #tpu.memory_space<vmem>>) semaphore(%run_scoped3A_136 : memref<!tpu.dma_semaphore, #tpu.memory_space<semaphore_mem>>) {add = true}
        %dma_wait3A_143 = arith.constant 0 : i32
        %dma_wait3A_144 = tpu.memref_slice %arg8[%run_scoped3A_135, %dma_wait3A_143] : memref<8x128xi32, #tpu.memory_space<vmem>> -> memref<1x128xi32, #tpu.memory_space<vmem>>
        %dma_wait3A_145 = tpu.memref_squeeze %dma_wait3A_144 : memref<1x128xi32, #tpu.memory_space<vmem>> -> memref<128xi32, #tpu.memory_space<vmem>>
        %dma_wait3A_146 = arith.constant 0 : i32
        %dma_wait3A_147 = arith.constant 0 : i32
        %dma_wait3A_148 = tpu.memref_slice %arg11[%dma_wait3A_146, %dma_wait3A_147] : memref<10240x128xf32, #tpu.memory_space<vmem_shared>> -> memref<10240x128xf32, #tpu.memory_space<vmem_shared>>
        tpu.wait_indirect_dma semaphore(%run_scoped3A_136 : memref<!tpu.dma_semaphore, #tpu.memory_space<semaphore_mem>>) src(%arg10 : memref<128x128xf32, #tpu.memory_space<vmem>>) dst(%dma_wait3A_148 : memref<10240x128xf32, #tpu.memory_space<vmem_shared>>)
        tpu.yield
      }) : () -> ()
    }
    %while3A_10 = arith.constant 1 : i32
    scf.for %while3A_16 = %while3A_8 to %while3A_4 step %while3A_10  : i32 {
      %mul3A_17 = arith.constant 8 : i32
      %mul3A_18 = arith.muli %while3A_16, %mul3A_17 : i32
      %multiple_of3A = tpu.assume_multiple %mul3A_18, 8 : i32
      "tpu.region"() ({
        %run_scoped3A_136 = tpu.sem_alloc : memref<!tpu.dma_semaphore, #tpu.memory_space<semaphore_mem>>
        %dma_start3A_137 = arith.constant 0 : i32
        %dma_start3A_138 = tpu.memref_slice %arg3[%arg0, %arg1, %multiple_of3A, %dma_start3A_137] : memref<2x16x80x128xi32, #tpu.memory_space<hbm>> -> memref<1x1x8x128xi32, #tpu.memory_space<hbm>>
        %dma_start3A_139 = tpu.memref_squeeze %dma_start3A_138 : memref<1x1x8x128xi32, #tpu.memory_space<hbm>> -> memref<8x128xi32, #tpu.memory_space<hbm>>
        %dma_start3A_140 = arith.constant 0 : i32
        %dma_start3A_141 = tpu.memref_slice %arg3[%arg0, %arg1, %multiple_of3A, %dma_start3A_140] : memref<2x16x80x128xi32, #tpu.memory_space<hbm>> -> memref<1x1x8x128xi32, #tpu.memory_space<hbm>>
        %dma_start3A_142 = tpu.memref_squeeze %dma_start3A_141 : memref<1x1x8x128xi32, #tpu.memory_space<hbm>> -> memref<8x128xi32, #tpu.memory_space<hbm>>
        tpu.enqueue_dma source(%dma_start3A_142 : memref<8x128xi32, #tpu.memory_space<hbm>>) target(%arg7 : memref<8x128xi32, #tpu.memory_space<vmem>>) target_semaphore(%run_scoped3A_136 : memref<!tpu.dma_semaphore, #tpu.memory_space<semaphore_mem>>)
        %dma_wait3A_143 = arith.constant 0 : i32
        %dma_wait3A_144 = tpu.memref_slice %arg3[%arg0, %arg1, %multiple_of3A, %dma_wait3A_143] : memref<2x16x80x128xi32, #tpu.memory_space<hbm>> -> memref<1x1x8x128xi32, #tpu.memory_space<hbm>>
        %dma_wait3A_145 = tpu.memref_squeeze %dma_wait3A_144 : memref<1x1x8x128xi32, #tpu.memory_space<hbm>> -> memref<8x128xi32, #tpu.memory_space<hbm>>
        %dma_wait3A_146 = arith.constant 0 : i32
        %dma_wait3A_147 = tpu.memref_slice %arg3[%arg0, %arg1, %multiple_of3A, %dma_wait3A_146] : memref<2x16x80x128xi32, #tpu.memory_space<hbm>> -> memref<1x1x8x128xi32, #tpu.memory_space<hbm>>
        %dma_wait3A_148 = tpu.memref_squeeze %dma_wait3A_147 : memref<1x1x8x128xi32, #tpu.memory_space<hbm>> -> memref<8x128xi32, #tpu.memory_space<hbm>>
        tpu.wait_dma2 semaphore(%run_scoped3A_136 : memref<!tpu.dma_semaphore, #tpu.memory_space<semaphore_mem>>) src(%dma_wait3A_148 : memref<8x128xi32, #tpu.memory_space<hbm>>) dst(%arg7 : memref<8x128xi32, #tpu.memory_space<vmem>>)
        tpu.yield
      }) : () -> ()
      "tpu.region"() ({
        %run_scoped3A_136 = tpu.sem_alloc : memref<!tpu.dma_semaphore, #tpu.memory_space<semaphore_mem>>
        %dma_start3A_137 = arith.constant 0 : i32
        %dma_start3A_138 = tpu.memref_slice %arg4[%arg0, %arg1, %multiple_of3A, %dma_start3A_137] : memref<2x16x80x128xi32, #tpu.memory_space<hbm>> -> memref<1x1x8x128xi32, #tpu.memory_space<hbm>>
        %dma_start3A_139 = tpu.memref_squeeze %dma_start3A_138 : memref<1x1x8x128xi32, #tpu.memory_space<hbm>> -> memref<8x128xi32, #tpu.memory_space<hbm>>
        %dma_start3A_140 = arith.constant 0 : i32
        %dma_start3A_141 = tpu.memref_slice %arg4[%arg0, %arg1, %multiple_of3A, %dma_start3A_140] : memref<2x16x80x128xi32, #tpu.memory_space<hbm>> -> memref<1x1x8x128xi32, #tpu.memory_space<hbm>>
        %dma_start3A_142 = tpu.memref_squeeze %dma_start3A_141 : memref<1x1x8x128xi32, #tpu.memory_space<hbm>> -> memref<8x128xi32, #tpu.memory_space<hbm>>
        tpu.enqueue_dma source(%dma_start3A_142 : memref<8x128xi32, #tpu.memory_space<hbm>>) target(%arg8 : memref<8x128xi32, #tpu.memory_space<vmem>>) target_semaphore(%run_scoped3A_136 : memref<!tpu.dma_semaphore, #tpu.memory_space<semaphore_mem>>)
        %dma_wait3A_143 = arith.constant 0 : i32
        %dma_wait3A_144 = tpu.memref_slice %arg4[%arg0, %arg1, %multiple_of3A, %dma_wait3A_143] : memref<2x16x80x128xi32, #tpu.memory_space<hbm>> -> memref<1x1x8x128xi32, #tpu.memory_space<hbm>>
        %dma_wait3A_145 = tpu.memref_squeeze %dma_wait3A_144 : memref<1x1x8x128xi32, #tpu.memory_space<hbm>> -> memref<8x128xi32, #tpu.memory_space<hbm>>
        %dma_wait3A_146 = arith.constant 0 : i32
        %dma_wait3A_147 = tpu.memref_slice %arg4[%arg0, %arg1, %multiple_of3A, %dma_wait3A_146] : memref<2x16x80x128xi32, #tpu.memory_space<hbm>> -> memref<1x1x8x128xi32, #tpu.memory_space<hbm>>
        %dma_wait3A_148 = tpu.memref_squeeze %dma_wait3A_147 : memref<1x1x8x128xi32, #tpu.memory_space<hbm>> -> memref<8x128xi32, #tpu.memory_space<hbm>>
        tpu.wait_dma2 semaphore(%run_scoped3A_136 : memref<!tpu.dma_semaphore, #tpu.memory_space<semaphore_mem>>) src(%dma_wait3A_148 : memref<8x128xi32, #tpu.memory_space<hbm>>) dst(%arg8 : memref<8x128xi32, #tpu.memory_space<vmem>>)
        tpu.yield
      }) : () -> ()
      %dma_start3A = arith.constant 0 : i32
      %dma_start3A_19 = arith.constant 0 : i32
      %dma_start3A_20 = tpu.memref_slice %arg7[%dma_start3A, %dma_start3A_19] : memref<8x128xi32, #tpu.memory_space<vmem>> -> memref<1x128xi32, #tpu.memory_space<vmem>>
      %dma_start3A_21 = tpu.memref_squeeze %dma_start3A_20 : memref<1x128xi32, #tpu.memory_space<vmem>> -> memref<128xi32, #tpu.memory_space<vmem>>
      %dma_start3A_22 = arith.constant 0 : i32
      %dma_start3A_23 = arith.constant 0 : i32
      %dma_start3A_24 = tpu.memref_slice %arg2[%dma_start3A_22, %dma_start3A_23] : memref<10000x128xf32, #tpu.memory_space<hbm>> -> memref<10000x128xf32, #tpu.memory_space<hbm>>
      tpu.enqueue_indirect_dma source(%dma_start3A_24 : memref<10000x128xf32, #tpu.memory_space<hbm>>) target(%arg9 : memref<128x128xf32, #tpu.memory_space<vmem>>) offsets(%dma_start3A_21 : memref<128xi32, #tpu.memory_space<vmem>>) semaphore(%arg12 : memref<!tpu.dma_semaphore, #tpu.memory_space<semaphore_mem>>)
      %dma_start3A_25 = arith.constant 1 : i32
      %dma_start3A_26 = arith.constant 0 : i32
      %dma_start3A_27 = tpu.memref_slice %arg7[%dma_start3A_25, %dma_start3A_26] : memref<8x128xi32, #tpu.memory_space<vmem>> -> memref<1x128xi32, #tpu.memory_space<vmem>>
      %dma_start3A_28 = tpu.memref_squeeze %dma_start3A_27 : memref<1x128xi32, #tpu.memory_space<vmem>> -> memref<128xi32, #tpu.memory_space<vmem>>
      %dma_start3A_29 = arith.constant 0 : i32
      %dma_start3A_30 = arith.constant 0 : i32
      %dma_start3A_31 = tpu.memref_slice %arg2[%dma_start3A_29, %dma_start3A_30] : memref<10000x128xf32, #tpu.memory_space<hbm>> -> memref<10000x128xf32, #tpu.memory_space<hbm>>
      tpu.enqueue_indirect_dma source(%dma_start3A_31 : memref<10000x128xf32, #tpu.memory_space<hbm>>) target(%arg10 : memref<128x128xf32, #tpu.memory_space<vmem>>) offsets(%dma_start3A_28 : memref<128xi32, #tpu.memory_space<vmem>>) semaphore(%arg13 : memref<!tpu.dma_semaphore, #tpu.memory_space<semaphore_mem>>)
      %dma_wait3A = arith.constant 0 : i32
      %dma_wait3A_32 = arith.constant 0 : i32
      %dma_wait3A_33 = tpu.memref_slice %arg7[%dma_wait3A, %dma_wait3A_32] : memref<8x128xi32, #tpu.memory_space<vmem>> -> memref<1x128xi32, #tpu.memory_space<vmem>>
      %dma_wait3A_34 = tpu.memref_squeeze %dma_wait3A_33 : memref<1x128xi32, #tpu.memory_space<vmem>> -> memref<128xi32, #tpu.memory_space<vmem>>
      %dma_wait3A_35 = arith.constant 0 : i32
      %dma_wait3A_36 = arith.constant 0 : i32
      %dma_wait3A_37 = tpu.memref_slice %arg2[%dma_wait3A_35, %dma_wait3A_36] : memref<10000x128xf32, #tpu.memory_space<hbm>> -> memref<10000x128xf32, #tpu.memory_space<hbm>>
      tpu.wait_indirect_dma semaphore(%arg12 : memref<!tpu.dma_semaphore, #tpu.memory_space<semaphore_mem>>) src(%dma_wait3A_37 : memref<10000x128xf32, #tpu.memory_space<hbm>>) dst(%arg9 : memref<128x128xf32, #tpu.memory_space<vmem>>)
      %run_scoped3A = arith.constant 0 : i32
      "tpu.region"() ({
        %run_scoped3A_136 = tpu.sem_alloc : memref<!tpu.dma_semaphore, #tpu.memory_space<semaphore_mem>>
        %dma_start3A_137 = arith.constant 0 : i32
        %dma_start3A_138 = tpu.memref_slice %arg8[%run_scoped3A, %dma_start3A_137] : memref<8x128xi32, #tpu.memory_space<vmem>> -> memref<1x128xi32, #tpu.memory_space<vmem>>
        %dma_start3A_139 = tpu.memref_squeeze %dma_start3A_138 : memref<1x128xi32, #tpu.memory_space<vmem>> -> memref<128xi32, #tpu.memory_space<vmem>>
        %dma_start3A_140 = arith.constant 0 : i32
        %dma_start3A_141 = arith.constant 0 : i32
        %dma_start3A_142 = tpu.memref_slice %arg11[%dma_start3A_140, %dma_start3A_141] : memref<10240x128xf32, #tpu.memory_space<vmem_shared>> -> memref<10240x128xf32, #tpu.memory_space<vmem_shared>>
        tpu.enqueue_indirect_dma source(%arg9 : memref<128x128xf32, #tpu.memory_space<vmem>>) target(%dma_start3A_142 : memref<10240x128xf32, #tpu.memory_space<vmem_shared>>) offsets(%dma_start3A_139 : memref<128xi32, #tpu.memory_space<vmem>>) semaphore(%run_scoped3A_136 : memref<!tpu.dma_semaphore, #tpu.memory_space<semaphore_mem>>) {add = true}
        %dma_wait3A_143 = arith.constant 0 : i32
        %dma_wait3A_144 = tpu.memref_slice %arg8[%run_scoped3A, %dma_wait3A_143] : memref<8x128xi32, #tpu.memory_space<vmem>> -> memref<1x128xi32, #tpu.memory_space<vmem>>
        %dma_wait3A_145 = tpu.memref_squeeze %dma_wait3A_144 : memref<1x128xi32, #tpu.memory_space<vmem>> -> memref<128xi32, #tpu.memory_space<vmem>>
        %dma_wait3A_146 = arith.constant 0 : i32
        %dma_wait3A_147 = arith.constant 0 : i32
        %dma_wait3A_148 = tpu.memref_slice %arg11[%dma_wait3A_146, %dma_wait3A_147] : memref<10240x128xf32, #tpu.memory_space<vmem_shared>> -> memref<10240x128xf32, #tpu.memory_space<vmem_shared>>
        tpu.wait_indirect_dma semaphore(%run_scoped3A_136 : memref<!tpu.dma_semaphore, #tpu.memory_space<semaphore_mem>>) src(%arg9 : memref<128x128xf32, #tpu.memory_space<vmem>>) dst(%dma_wait3A_148 : memref<10240x128xf32, #tpu.memory_space<vmem_shared>>)
        tpu.yield
      }) : () -> ()
      %dma_start3A_38 = arith.constant 2 : i32
      %dma_start3A_39 = arith.constant 0 : i32
      %dma_start3A_40 = tpu.memref_slice %arg7[%dma_start3A_38, %dma_start3A_39] : memref<8x128xi32, #tpu.memory_space<vmem>> -> memref<1x128xi32, #tpu.memory_space<vmem>>
      %dma_start3A_41 = tpu.memref_squeeze %dma_start3A_40 : memref<1x128xi32, #tpu.memory_space<vmem>> -> memref<128xi32, #tpu.memory_space<vmem>>
      %dma_start3A_42 = arith.constant 0 : i32
      %dma_start3A_43 = arith.constant 0 : i32
      %dma_start3A_44 = tpu.memref_slice %arg2[%dma_start3A_42, %dma_start3A_43] : memref<10000x128xf32, #tpu.memory_space<hbm>> -> memref<10000x128xf32, #tpu.memory_space<hbm>>
      tpu.enqueue_indirect_dma source(%dma_start3A_44 : memref<10000x128xf32, #tpu.memory_space<hbm>>) target(%arg9 : memref<128x128xf32, #tpu.memory_space<vmem>>) offsets(%dma_start3A_41 : memref<128xi32, #tpu.memory_space<vmem>>) semaphore(%arg12 : memref<!tpu.dma_semaphore, #tpu.memory_space<semaphore_mem>>)
      %dma_wait3A_45 = arith.constant 1 : i32
      %dma_wait3A_46 = arith.constant 0 : i32
      %dma_wait3A_47 = tpu.memref_slice %arg7[%dma_wait3A_45, %dma_wait3A_46] : memref<8x128xi32, #tpu.memory_space<vmem>> -> memref<1x128xi32, #tpu.memory_space<vmem>>
      %dma_wait3A_48 = tpu.memref_squeeze %dma_wait3A_47 : memref<1x128xi32, #tpu.memory_space<vmem>> -> memref<128xi32, #tpu.memory_space<vmem>>
      %dma_wait3A_49 = arith.constant 0 : i32
      %dma_wait3A_50 = arith.constant 0 : i32
      %dma_wait3A_51 = tpu.memref_slice %arg2[%dma_wait3A_49, %dma_wait3A_50] : memref<10000x128xf32, #tpu.memory_space<hbm>> -> memref<10000x128xf32, #tpu.memory_space<hbm>>
      tpu.wait_indirect_dma semaphore(%arg13 : memref<!tpu.dma_semaphore, #tpu.memory_space<semaphore_mem>>) src(%dma_wait3A_51 : memref<10000x128xf32, #tpu.memory_space<hbm>>) dst(%arg10 : memref<128x128xf32, #tpu.memory_space<vmem>>)
      %run_scoped3A_52 = arith.constant 1 : i32
      "tpu.region"() ({
        %run_scoped3A_136 = tpu.sem_alloc : memref<!tpu.dma_semaphore, #tpu.memory_space<semaphore_mem>>
        %dma_start3A_137 = arith.constant 0 : i32
        %dma_start3A_138 = tpu.memref_slice %arg8[%run_scoped3A_52, %dma_start3A_137] : memref<8x128xi32, #tpu.memory_space<vmem>> -> memref<1x128xi32, #tpu.memory_space<vmem>>
        %dma_start3A_139 = tpu.memref_squeeze %dma_start3A_138 : memref<1x128xi32, #tpu.memory_space<vmem>> -> memref<128xi32, #tpu.memory_space<vmem>>
        %dma_start3A_140 = arith.constant 0 : i32
        %dma_start3A_141 = arith.constant 0 : i32
        %dma_start3A_142 = tpu.memref_slice %arg11[%dma_start3A_140, %dma_start3A_141] : memref<10240x128xf32, #tpu.memory_space<vmem_shared>> -> memref<10240x128xf32, #tpu.memory_space<vmem_shared>>
        tpu.enqueue_indirect_dma source(%arg10 : memref<128x128xf32, #tpu.memory_space<vmem>>) target(%dma_start3A_142 : memref<10240x128xf32, #tpu.memory_space<vmem_shared>>) offsets(%dma_start3A_139 : memref<128xi32, #tpu.memory_space<vmem>>) semaphore(%run_scoped3A_136 : memref<!tpu.dma_semaphore, #tpu.memory_space<semaphore_mem>>) {add = true}
        %dma_wait3A_143 = arith.constant 0 : i32
        %dma_wait3A_144 = tpu.memref_slice %arg8[%run_scoped3A_52, %dma_wait3A_143] : memref<8x128xi32, #tpu.memory_space<vmem>> -> memref<1x128xi32, #tpu.memory_space<vmem>>
        %dma_wait3A_145 = tpu.memref_squeeze %dma_wait3A_144 : memref<1x128xi32, #tpu.memory_space<vmem>> -> memref<128xi32, #tpu.memory_space<vmem>>
        %dma_wait3A_146 = arith.constant 0 : i32
        %dma_wait3A_147 = arith.constant 0 : i32
        %dma_wait3A_148 = tpu.memref_slice %arg11[%dma_wait3A_146, %dma_wait3A_147] : memref<10240x128xf32, #tpu.memory_space<vmem_shared>> -> memref<10240x128xf32, #tpu.memory_space<vmem_shared>>
        tpu.wait_indirect_dma semaphore(%run_scoped3A_136 : memref<!tpu.dma_semaphore, #tpu.memory_space<semaphore_mem>>) src(%arg10 : memref<128x128xf32, #tpu.memory_space<vmem>>) dst(%dma_wait3A_148 : memref<10240x128xf32, #tpu.memory_space<vmem_shared>>)
        tpu.yield
      }) : () -> ()
      %dma_start3A_53 = arith.constant 3 : i32
      %dma_start3A_54 = arith.constant 0 : i32
      %dma_start3A_55 = tpu.memref_slice %arg7[%dma_start3A_53, %dma_start3A_54] : memref<8x128xi32, #tpu.memory_space<vmem>> -> memref<1x128xi32, #tpu.memory_space<vmem>>
      %dma_start3A_56 = tpu.memref_squeeze %dma_start3A_55 : memref<1x128xi32, #tpu.memory_space<vmem>> -> memref<128xi32, #tpu.memory_space<vmem>>
      %dma_start3A_57 = arith.constant 0 : i32
      %dma_start3A_58 = arith.constant 0 : i32
      %dma_start3A_59 = tpu.memref_slice %arg2[%dma_start3A_57, %dma_start3A_58] : memref<10000x128xf32, #tpu.memory_space<hbm>> -> memref<10000x128xf32, #tpu.memory_space<hbm>>
      tpu.enqueue_indirect_dma source(%dma_start3A_59 : memref<10000x128xf32, #tpu.memory_space<hbm>>) target(%arg10 : memref<128x128xf32, #tpu.memory_space<vmem>>) offsets(%dma_start3A_56 : memref<128xi32, #tpu.memory_space<vmem>>) semaphore(%arg13 : memref<!tpu.dma_semaphore, #tpu.memory_space<semaphore_mem>>)
      %dma_wait3A_60 = arith.constant 2 : i32
      %dma_wait3A_61 = arith.constant 0 : i32
      %dma_wait3A_62 = tpu.memref_slice %arg7[%dma_wait3A_60, %dma_wait3A_61] : memref<8x128xi32, #tpu.memory_space<vmem>> -> memref<1x128xi32, #tpu.memory_space<vmem>>
      %dma_wait3A_63 = tpu.memref_squeeze %dma_wait3A_62 : memref<1x128xi32, #tpu.memory_space<vmem>> -> memref<128xi32, #tpu.memory_space<vmem>>
      %dma_wait3A_64 = arith.constant 0 : i32
      %dma_wait3A_65 = arith.constant 0 : i32
      %dma_wait3A_66 = tpu.memref_slice %arg2[%dma_wait3A_64, %dma_wait3A_65] : memref<10000x128xf32, #tpu.memory_space<hbm>> -> memref<10000x128xf32, #tpu.memory_space<hbm>>
      tpu.wait_indirect_dma semaphore(%arg12 : memref<!tpu.dma_semaphore, #tpu.memory_space<semaphore_mem>>) src(%dma_wait3A_66 : memref<10000x128xf32, #tpu.memory_space<hbm>>) dst(%arg9 : memref<128x128xf32, #tpu.memory_space<vmem>>)
      %run_scoped3A_67 = arith.constant 2 : i32
      "tpu.region"() ({
        %run_scoped3A_136 = tpu.sem_alloc : memref<!tpu.dma_semaphore, #tpu.memory_space<semaphore_mem>>
        %dma_start3A_137 = arith.constant 0 : i32
        %dma_start3A_138 = tpu.memref_slice %arg8[%run_scoped3A_67, %dma_start3A_137] : memref<8x128xi32, #tpu.memory_space<vmem>> -> memref<1x128xi32, #tpu.memory_space<vmem>>
        %dma_start3A_139 = tpu.memref_squeeze %dma_start3A_138 : memref<1x128xi32, #tpu.memory_space<vmem>> -> memref<128xi32, #tpu.memory_space<vmem>>
        %dma_start3A_140 = arith.constant 0 : i32
        %dma_start3A_141 = arith.constant 0 : i32
        %dma_start3A_142 = tpu.memref_slice %arg11[%dma_start3A_140, %dma_start3A_141] : memref<10240x128xf32, #tpu.memory_space<vmem_shared>> -> memref<10240x128xf32, #tpu.memory_space<vmem_shared>>
        tpu.enqueue_indirect_dma source(%arg9 : memref<128x128xf32, #tpu.memory_space<vmem>>) target(%dma_start3A_142 : memref<10240x128xf32, #tpu.memory_space<vmem_shared>>) offsets(%dma_start3A_139 : memref<128xi32, #tpu.memory_space<vmem>>) semaphore(%run_scoped3A_136 : memref<!tpu.dma_semaphore, #tpu.memory_space<semaphore_mem>>) {add = true}
        %dma_wait3A_143 = arith.constant 0 : i32
        %dma_wait3A_144 = tpu.memref_slice %arg8[%run_scoped3A_67, %dma_wait3A_143] : memref<8x128xi32, #tpu.memory_space<vmem>> -> memref<1x128xi32, #tpu.memory_space<vmem>>
        %dma_wait3A_145 = tpu.memref_squeeze %dma_wait3A_144 : memref<1x128xi32, #tpu.memory_space<vmem>> -> memref<128xi32, #tpu.memory_space<vmem>>
        %dma_wait3A_146 = arith.constant 0 : i32
        %dma_wait3A_147 = arith.constant 0 : i32
        %dma_wait3A_148 = tpu.memref_slice %arg11[%dma_wait3A_146, %dma_wait3A_147] : memref<10240x128xf32, #tpu.memory_space<vmem_shared>> -> memref<10240x128xf32, #tpu.memory_space<vmem_shared>>
        tpu.wait_indirect_dma semaphore(%run_scoped3A_136 : memref<!tpu.dma_semaphore, #tpu.memory_space<semaphore_mem>>) src(%arg9 : memref<128x128xf32, #tpu.memory_space<vmem>>) dst(%dma_wait3A_148 : memref<10240x128xf32, #tpu.memory_space<vmem_shared>>)
        tpu.yield
      }) : () -> ()
      %dma_start3A_68 = arith.constant 4 : i32
      %dma_start3A_69 = arith.constant 0 : i32
      %dma_start3A_70 = tpu.memref_slice %arg7[%dma_start3A_68, %dma_start3A_69] : memref<8x128xi32, #tpu.memory_space<vmem>> -> memref<1x128xi32, #tpu.memory_space<vmem>>
      %dma_start3A_71 = tpu.memref_squeeze %dma_start3A_70 : memref<1x128xi32, #tpu.memory_space<vmem>> -> memref<128xi32, #tpu.memory_space<vmem>>
      %dma_start3A_72 = arith.constant 0 : i32
      %dma_start3A_73 = arith.constant 0 : i32
      %dma_start3A_74 = tpu.memref_slice %arg2[%dma_start3A_72, %dma_start3A_73] : memref<10000x128xf32, #tpu.memory_space<hbm>> -> memref<10000x128xf32, #tpu.memory_space<hbm>>
      tpu.enqueue_indirect_dma source(%dma_start3A_74 : memref<10000x128xf32, #tpu.memory_space<hbm>>) target(%arg9 : memref<128x128xf32, #tpu.memory_space<vmem>>) offsets(%dma_start3A_71 : memref<128xi32, #tpu.memory_space<vmem>>) semaphore(%arg12 : memref<!tpu.dma_semaphore, #tpu.memory_space<semaphore_mem>>)
      %dma_wait3A_75 = arith.constant 3 : i32
      %dma_wait3A_76 = arith.constant 0 : i32
      %dma_wait3A_77 = tpu.memref_slice %arg7[%dma_wait3A_75, %dma_wait3A_76] : memref<8x128xi32, #tpu.memory_space<vmem>> -> memref<1x128xi32, #tpu.memory_space<vmem>>
      %dma_wait3A_78 = tpu.memref_squeeze %dma_wait3A_77 : memref<1x128xi32, #tpu.memory_space<vmem>> -> memref<128xi32, #tpu.memory_space<vmem>>
      %dma_wait3A_79 = arith.constant 0 : i32
      %dma_wait3A_80 = arith.constant 0 : i32
      %dma_wait3A_81 = tpu.memref_slice %arg2[%dma_wait3A_79, %dma_wait3A_80] : memref<10000x128xf32, #tpu.memory_space<hbm>> -> memref<10000x128xf32, #tpu.memory_space<hbm>>
      tpu.wait_indirect_dma semaphore(%arg13 : memref<!tpu.dma_semaphore, #tpu.memory_space<semaphore_mem>>) src(%dma_wait3A_81 : memref<10000x128xf32, #tpu.memory_space<hbm>>) dst(%arg10 : memref<128x128xf32, #tpu.memory_space<vmem>>)
      %run_scoped3A_82 = arith.constant 3 : i32
      "tpu.region"() ({
        %run_scoped3A_136 = tpu.sem_alloc : memref<!tpu.dma_semaphore, #tpu.memory_space<semaphore_mem>>
        %dma_start3A_137 = arith.constant 0 : i32
        %dma_start3A_138 = tpu.memref_slice %arg8[%run_scoped3A_82, %dma_start3A_137] : memref<8x128xi32, #tpu.memory_space<vmem>> -> memref<1x128xi32, #tpu.memory_space<vmem>>
        %dma_start3A_139 = tpu.memref_squeeze %dma_start3A_138 : memref<1x128xi32, #tpu.memory_space<vmem>> -> memref<128xi32, #tpu.memory_space<vmem>>
        %dma_start3A_140 = arith.constant 0 : i32
        %dma_start3A_141 = arith.constant 0 : i32
        %dma_start3A_142 = tpu.memref_slice %arg11[%dma_start3A_140, %dma_start3A_141] : memref<10240x128xf32, #tpu.memory_space<vmem_shared>> -> memref<10240x128xf32, #tpu.memory_space<vmem_shared>>
        tpu.enqueue_indirect_dma source(%arg10 : memref<128x128xf32, #tpu.memory_space<vmem>>) target(%dma_start3A_142 : memref<10240x128xf32, #tpu.memory_space<vmem_shared>>) offsets(%dma_start3A_139 : memref<128xi32, #tpu.memory_space<vmem>>) semaphore(%run_scoped3A_136 : memref<!tpu.dma_semaphore, #tpu.memory_space<semaphore_mem>>) {add = true}
        %dma_wait3A_143 = arith.constant 0 : i32
        %dma_wait3A_144 = tpu.memref_slice %arg8[%run_scoped3A_82, %dma_wait3A_143] : memref<8x128xi32, #tpu.memory_space<vmem>> -> memref<1x128xi32, #tpu.memory_space<vmem>>
        %dma_wait3A_145 = tpu.memref_squeeze %dma_wait3A_144 : memref<1x128xi32, #tpu.memory_space<vmem>> -> memref<128xi32, #tpu.memory_space<vmem>>
        %dma_wait3A_146 = arith.constant 0 : i32
        %dma_wait3A_147 = arith.constant 0 : i32
        %dma_wait3A_148 = tpu.memref_slice %arg11[%dma_wait3A_146, %dma_wait3A_147] : memref<10240x128xf32, #tpu.memory_space<vmem_shared>> -> memref<10240x128xf32, #tpu.memory_space<vmem_shared>>
        tpu.wait_indirect_dma semaphore(%run_scoped3A_136 : memref<!tpu.dma_semaphore, #tpu.memory_space<semaphore_mem>>) src(%arg10 : memref<128x128xf32, #tpu.memory_space<vmem>>) dst(%dma_wait3A_148 : memref<10240x128xf32, #tpu.memory_space<vmem_shared>>)
        tpu.yield
      }) : () -> ()
      %dma_start3A_83 = arith.constant 5 : i32
      %dma_start3A_84 = arith.constant 0 : i32
      %dma_start3A_85 = tpu.memref_slice %arg7[%dma_start3A_83, %dma_start3A_84] : memref<8x128xi32, #tpu.memory_space<vmem>> -> memref<1x128xi32, #tpu.memory_space<vmem>>
      %dma_start3A_86 = tpu.memref_squeeze %dma_start3A_85 : memref<1x128xi32, #tpu.memory_space<vmem>> -> memref<128xi32, #tpu.memory_space<vmem>>
      %dma_start3A_87 = arith.constant 0 : i32
      %dma_start3A_88 = arith.constant 0 : i32
      %dma_start3A_89 = tpu.memref_slice %arg2[%dma_start3A_87, %dma_start3A_88] : memref<10000x128xf32, #tpu.memory_space<hbm>> -> memref<10000x128xf32, #tpu.memory_space<hbm>>
      tpu.enqueue_indirect_dma source(%dma_start3A_89 : memref<10000x128xf32, #tpu.memory_space<hbm>>) target(%arg10 : memref<128x128xf32, #tpu.memory_space<vmem>>) offsets(%dma_start3A_86 : memref<128xi32, #tpu.memory_space<vmem>>) semaphore(%arg13 : memref<!tpu.dma_semaphore, #tpu.memory_space<semaphore_mem>>)
      %dma_wait3A_90 = arith.constant 4 : i32
      %dma_wait3A_91 = arith.constant 0 : i32
      %dma_wait3A_92 = tpu.memref_slice %arg7[%dma_wait3A_90, %dma_wait3A_91] : memref<8x128xi32, #tpu.memory_space<vmem>> -> memref<1x128xi32, #tpu.memory_space<vmem>>
      %dma_wait3A_93 = tpu.memref_squeeze %dma_wait3A_92 : memref<1x128xi32, #tpu.memory_space<vmem>> -> memref<128xi32, #tpu.memory_space<vmem>>
      %dma_wait3A_94 = arith.constant 0 : i32
      %dma_wait3A_95 = arith.constant 0 : i32
      %dma_wait3A_96 = tpu.memref_slice %arg2[%dma_wait3A_94, %dma_wait3A_95] : memref<10000x128xf32, #tpu.memory_space<hbm>> -> memref<10000x128xf32, #tpu.memory_space<hbm>>
      tpu.wait_indirect_dma semaphore(%arg12 : memref<!tpu.dma_semaphore, #tpu.memory_space<semaphore_mem>>) src(%dma_wait3A_96 : memref<10000x128xf32, #tpu.memory_space<hbm>>) dst(%arg9 : memref<128x128xf32, #tpu.memory_space<vmem>>)
      %run_scoped3A_97 = arith.constant 4 : i32
      "tpu.region"() ({
        %run_scoped3A_136 = tpu.sem_alloc : memref<!tpu.dma_semaphore, #tpu.memory_space<semaphore_mem>>
        %dma_start3A_137 = arith.constant 0 : i32
        %dma_start3A_138 = tpu.memref_slice %arg8[%run_scoped3A_97, %dma_start3A_137] : memref<8x128xi32, #tpu.memory_space<vmem>> -> memref<1x128xi32, #tpu.memory_space<vmem>>
        %dma_start3A_139 = tpu.memref_squeeze %dma_start3A_138 : memref<1x128xi32, #tpu.memory_space<vmem>> -> memref<128xi32, #tpu.memory_space<vmem>>
        %dma_start3A_140 = arith.constant 0 : i32
        %dma_start3A_141 = arith.constant 0 : i32
        %dma_start3A_142 = tpu.memref_slice %arg11[%dma_start3A_140, %dma_start3A_141] : memref<10240x128xf32, #tpu.memory_space<vmem_shared>> -> memref<10240x128xf32, #tpu.memory_space<vmem_shared>>
        tpu.enqueue_indirect_dma source(%arg9 : memref<128x128xf32, #tpu.memory_space<vmem>>) target(%dma_start3A_142 : memref<10240x128xf32, #tpu.memory_space<vmem_shared>>) offsets(%dma_start3A_139 : memref<128xi32, #tpu.memory_space<vmem>>) semaphore(%run_scoped3A_136 : memref<!tpu.dma_semaphore, #tpu.memory_space<semaphore_mem>>) {add = true}
        %dma_wait3A_143 = arith.constant 0 : i32
        %dma_wait3A_144 = tpu.memref_slice %arg8[%run_scoped3A_97, %dma_wait3A_143] : memref<8x128xi32, #tpu.memory_space<vmem>> -> memref<1x128xi32, #tpu.memory_space<vmem>>
        %dma_wait3A_145 = tpu.memref_squeeze %dma_wait3A_144 : memref<1x128xi32, #tpu.memory_space<vmem>> -> memref<128xi32, #tpu.memory_space<vmem>>
        %dma_wait3A_146 = arith.constant 0 : i32
        %dma_wait3A_147 = arith.constant 0 : i32
        %dma_wait3A_148 = tpu.memref_slice %arg11[%dma_wait3A_146, %dma_wait3A_147] : memref<10240x128xf32, #tpu.memory_space<vmem_shared>> -> memref<10240x128xf32, #tpu.memory_space<vmem_shared>>
        tpu.wait_indirect_dma semaphore(%run_scoped3A_136 : memref<!tpu.dma_semaphore, #tpu.memory_space<semaphore_mem>>) src(%arg9 : memref<128x128xf32, #tpu.memory_space<vmem>>) dst(%dma_wait3A_148 : memref<10240x128xf32, #tpu.memory_space<vmem_shared>>)
        tpu.yield
      }) : () -> ()
      %dma_start3A_98 = arith.constant 6 : i32
      %dma_start3A_99 = arith.constant 0 : i32
      %dma_start3A_100 = tpu.memref_slice %arg7[%dma_start3A_98, %dma_start3A_99] : memref<8x128xi32, #tpu.memory_space<vmem>> -> memref<1x128xi32, #tpu.memory_space<vmem>>
      %dma_start3A_101 = tpu.memref_squeeze %dma_start3A_100 : memref<1x128xi32, #tpu.memory_space<vmem>> -> memref<128xi32, #tpu.memory_space<vmem>>
      %dma_start3A_102 = arith.constant 0 : i32
      %dma_start3A_103 = arith.constant 0 : i32
      %dma_start3A_104 = tpu.memref_slice %arg2[%dma_start3A_102, %dma_start3A_103] : memref<10000x128xf32, #tpu.memory_space<hbm>> -> memref<10000x128xf32, #tpu.memory_space<hbm>>
      tpu.enqueue_indirect_dma source(%dma_start3A_104 : memref<10000x128xf32, #tpu.memory_space<hbm>>) target(%arg9 : memref<128x128xf32, #tpu.memory_space<vmem>>) offsets(%dma_start3A_101 : memref<128xi32, #tpu.memory_space<vmem>>) semaphore(%arg12 : memref<!tpu.dma_semaphore, #tpu.memory_space<semaphore_mem>>)
      %dma_wait3A_105 = arith.constant 5 : i32
      %dma_wait3A_106 = arith.constant 0 : i32
      %dma_wait3A_107 = tpu.memref_slice %arg7[%dma_wait3A_105, %dma_wait3A_106] : memref<8x128xi32, #tpu.memory_space<vmem>> -> memref<1x128xi32, #tpu.memory_space<vmem>>
      %dma_wait3A_108 = tpu.memref_squeeze %dma_wait3A_107 : memref<1x128xi32, #tpu.memory_space<vmem>> -> memref<128xi32, #tpu.memory_space<vmem>>
      %dma_wait3A_109 = arith.constant 0 : i32
      %dma_wait3A_110 = arith.constant 0 : i32
      %dma_wait3A_111 = tpu.memref_slice %arg2[%dma_wait3A_109, %dma_wait3A_110] : memref<10000x128xf32, #tpu.memory_space<hbm>> -> memref<10000x128xf32, #tpu.memory_space<hbm>>
      tpu.wait_indirect_dma semaphore(%arg13 : memref<!tpu.dma_semaphore, #tpu.memory_space<semaphore_mem>>) src(%dma_wait3A_111 : memref<10000x128xf32, #tpu.memory_space<hbm>>) dst(%arg10 : memref<128x128xf32, #tpu.memory_space<vmem>>)
      %run_scoped3A_112 = arith.constant 5 : i32
      "tpu.region"() ({
        %run_scoped3A_136 = tpu.sem_alloc : memref<!tpu.dma_semaphore, #tpu.memory_space<semaphore_mem>>
        %dma_start3A_137 = arith.constant 0 : i32
        %dma_start3A_138 = tpu.memref_slice %arg8[%run_scoped3A_112, %dma_start3A_137] : memref<8x128xi32, #tpu.memory_space<vmem>> -> memref<1x128xi32, #tpu.memory_space<vmem>>
        %dma_start3A_139 = tpu.memref_squeeze %dma_start3A_138 : memref<1x128xi32, #tpu.memory_space<vmem>> -> memref<128xi32, #tpu.memory_space<vmem>>
        %dma_start3A_140 = arith.constant 0 : i32
        %dma_start3A_141 = arith.constant 0 : i32
        %dma_start3A_142 = tpu.memref_slice %arg11[%dma_start3A_140, %dma_start3A_141] : memref<10240x128xf32, #tpu.memory_space<vmem_shared>> -> memref<10240x128xf32, #tpu.memory_space<vmem_shared>>
        tpu.enqueue_indirect_dma source(%arg10 : memref<128x128xf32, #tpu.memory_space<vmem>>) target(%dma_start3A_142 : memref<10240x128xf32, #tpu.memory_space<vmem_shared>>) offsets(%dma_start3A_139 : memref<128xi32, #tpu.memory_space<vmem>>) semaphore(%run_scoped3A_136 : memref<!tpu.dma_semaphore, #tpu.memory_space<semaphore_mem>>) {add = true}
        %dma_wait3A_143 = arith.constant 0 : i32
        %dma_wait3A_144 = tpu.memref_slice %arg8[%run_scoped3A_112, %dma_wait3A_143] : memref<8x128xi32, #tpu.memory_space<vmem>> -> memref<1x128xi32, #tpu.memory_space<vmem>>
        %dma_wait3A_145 = tpu.memref_squeeze %dma_wait3A_144 : memref<1x128xi32, #tpu.memory_space<vmem>> -> memref<128xi32, #tpu.memory_space<vmem>>
        %dma_wait3A_146 = arith.constant 0 : i32
        %dma_wait3A_147 = arith.constant 0 : i32
        %dma_wait3A_148 = tpu.memref_slice %arg11[%dma_wait3A_146, %dma_wait3A_147] : memref<10240x128xf32, #tpu.memory_space<vmem_shared>> -> memref<10240x128xf32, #tpu.memory_space<vmem_shared>>
        tpu.wait_indirect_dma semaphore(%run_scoped3A_136 : memref<!tpu.dma_semaphore, #tpu.memory_space<semaphore_mem>>) src(%arg10 : memref<128x128xf32, #tpu.memory_space<vmem>>) dst(%dma_wait3A_148 : memref<10240x128xf32, #tpu.memory_space<vmem_shared>>)
        tpu.yield
      }) : () -> ()
      %dma_start3A_113 = arith.constant 7 : i32
      %dma_start3A_114 = arith.constant 0 : i32
      %dma_start3A_115 = tpu.memref_slice %arg7[%dma_start3A_113, %dma_start3A_114] : memref<8x128xi32, #tpu.memory_space<vmem>> -> memref<1x128xi32, #tpu.memory_space<vmem>>
      %dma_start3A_116 = tpu.memref_squeeze %dma_start3A_115 : memref<1x128xi32, #tpu.memory_space<vmem>> -> memref<128xi32, #tpu.memory_space<vmem>>
      %dma_start3A_117 = arith.constant 0 : i32
      %dma_start3A_118 = arith.constant 0 : i32
      %dma_start3A_119 = tpu.memref_slice %arg2[%dma_start3A_117, %dma_start3A_118] : memref<10000x128xf32, #tpu.memory_space<hbm>> -> memref<10000x128xf32, #tpu.memory_space<hbm>>
      tpu.enqueue_indirect_dma source(%dma_start3A_119 : memref<10000x128xf32, #tpu.memory_space<hbm>>) target(%arg10 : memref<128x128xf32, #tpu.memory_space<vmem>>) offsets(%dma_start3A_116 : memref<128xi32, #tpu.memory_space<vmem>>) semaphore(%arg13 : memref<!tpu.dma_semaphore, #tpu.memory_space<semaphore_mem>>)
      %dma_wait3A_120 = arith.constant 6 : i32
      %dma_wait3A_121 = arith.constant 0 : i32
      %dma_wait3A_122 = tpu.memref_slice %arg7[%dma_wait3A_120, %dma_wait3A_121] : memref<8x128xi32, #tpu.memory_space<vmem>> -> memref<1x128xi32, #tpu.memory_space<vmem>>
      %dma_wait3A_123 = tpu.memref_squeeze %dma_wait3A_122 : memref<1x128xi32, #tpu.memory_space<vmem>> -> memref<128xi32, #tpu.memory_space<vmem>>
      %dma_wait3A_124 = arith.constant 0 : i32
      %dma_wait3A_125 = arith.constant 0 : i32
      %dma_wait3A_126 = tpu.memref_slice %arg2[%dma_wait3A_124, %dma_wait3A_125] : memref<10000x128xf32, #tpu.memory_space<hbm>> -> memref<10000x128xf32, #tpu.memory_space<hbm>>
      tpu.wait_indirect_dma semaphore(%arg12 : memref<!tpu.dma_semaphore, #tpu.memory_space<semaphore_mem>>) src(%dma_wait3A_126 : memref<10000x128xf32, #tpu.memory_space<hbm>>) dst(%arg9 : memref<128x128xf32, #tpu.memory_space<vmem>>)
      %run_scoped3A_127 = arith.constant 6 : i32
      "tpu.region"() ({
        %run_scoped3A_136 = tpu.sem_alloc : memref<!tpu.dma_semaphore, #tpu.memory_space<semaphore_mem>>
        %dma_start3A_137 = arith.constant 0 : i32
        %dma_start3A_138 = tpu.memref_slice %arg8[%run_scoped3A_127, %dma_start3A_137] : memref<8x128xi32, #tpu.memory_space<vmem>> -> memref<1x128xi32, #tpu.memory_space<vmem>>
        %dma_start3A_139 = tpu.memref_squeeze %dma_start3A_138 : memref<1x128xi32, #tpu.memory_space<vmem>> -> memref<128xi32, #tpu.memory_space<vmem>>
        %dma_start3A_140 = arith.constant 0 : i32
        %dma_start3A_141 = arith.constant 0 : i32
        %dma_start3A_142 = tpu.memref_slice %arg11[%dma_start3A_140, %dma_start3A_141] : memref<10240x128xf32, #tpu.memory_space<vmem_shared>> -> memref<10240x128xf32, #tpu.memory_space<vmem_shared>>
        tpu.enqueue_indirect_dma source(%arg9 : memref<128x128xf32, #tpu.memory_space<vmem>>) target(%dma_start3A_142 : memref<10240x128xf32, #tpu.memory_space<vmem_shared>>) offsets(%dma_start3A_139 : memref<128xi32, #tpu.memory_space<vmem>>) semaphore(%run_scoped3A_136 : memref<!tpu.dma_semaphore, #tpu.memory_space<semaphore_mem>>) {add = true}
        %dma_wait3A_143 = arith.constant 0 : i32
        %dma_wait3A_144 = tpu.memref_slice %arg8[%run_scoped3A_127, %dma_wait3A_143] : memref<8x128xi32, #tpu.memory_space<vmem>> -> memref<1x128xi32, #tpu.memory_space<vmem>>
        %dma_wait3A_145 = tpu.memref_squeeze %dma_wait3A_144 : memref<1x128xi32, #tpu.memory_space<vmem>> -> memref<128xi32, #tpu.memory_space<vmem>>
        %dma_wait3A_146 = arith.constant 0 : i32
        %dma_wait3A_147 = arith.constant 0 : i32
        %dma_wait3A_148 = tpu.memref_slice %arg11[%dma_wait3A_146, %dma_wait3A_147] : memref<10240x128xf32, #tpu.memory_space<vmem_shared>> -> memref<10240x128xf32, #tpu.memory_space<vmem_shared>>
        tpu.wait_indirect_dma semaphore(%run_scoped3A_136 : memref<!tpu.dma_semaphore, #tpu.memory_space<semaphore_mem>>) src(%arg9 : memref<128x128xf32, #tpu.memory_space<vmem>>) dst(%dma_wait3A_148 : memref<10240x128xf32, #tpu.memory_space<vmem_shared>>)
        tpu.yield
      }) : () -> ()
      %dma_wait3A_128 = arith.constant 7 : i32
      %dma_wait3A_129 = arith.constant 0 : i32
      %dma_wait3A_130 = tpu.memref_slice %arg7[%dma_wait3A_128, %dma_wait3A_129] : memref<8x128xi32, #tpu.memory_space<vmem>> -> memref<1x128xi32, #tpu.memory_space<vmem>>
      %dma_wait3A_131 = tpu.memref_squeeze %dma_wait3A_130 : memref<1x128xi32, #tpu.memory_space<vmem>> -> memref<128xi32, #tpu.memory_space<vmem>>
      %dma_wait3A_132 = arith.constant 0 : i32
      %dma_wait3A_133 = arith.constant 0 : i32
      %dma_wait3A_134 = tpu.memref_slice %arg2[%dma_wait3A_132, %dma_wait3A_133] : memref<10000x128xf32, #tpu.memory_space<hbm>> -> memref<10000x128xf32, #tpu.memory_space<hbm>>
      tpu.wait_indirect_dma semaphore(%arg13 : memref<!tpu.dma_semaphore, #tpu.memory_space<semaphore_mem>>) src(%dma_wait3A_134 : memref<10000x128xf32, #tpu.memory_space<hbm>>) dst(%arg10 : memref<128x128xf32, #tpu.memory_space<vmem>>)
      %run_scoped3A_135 = arith.constant 7 : i32
      "tpu.region"() ({
        %run_scoped3A_136 = tpu.sem_alloc : memref<!tpu.dma_semaphore, #tpu.memory_space<semaphore_mem>>
        %dma_start3A_137 = arith.constant 0 : i32
        %dma_start3A_138 = tpu.memref_slice %arg8[%run_scoped3A_135, %dma_start3A_137] : memref<8x128xi32, #tpu.memory_space<vmem>> -> memref<1x128xi32, #tpu.memory_space<vmem>>
        %dma_start3A_139 = tpu.memref_squeeze %dma_start3A_138 : memref<1x128xi32, #tpu.memory_space<vmem>> -> memref<128xi32, #tpu.memory_space<vmem>>
        %dma_start3A_140 = arith.constant 0 : i32
        %dma_start3A_141 = arith.constant 0 : i32
        %dma_start3A_142 = tpu.memref_slice %arg11[%dma_start3A_140, %dma_start3A_141] : memref<10240x128xf32, #tpu.memory_space<vmem_shared>> -> memref<10240x128xf32, #tpu.memory_space<vmem_shared>>
        tpu.enqueue_indirect_dma source(%arg10 : memref<128x128xf32, #tpu.memory_space<vmem>>) target(%dma_start3A_142 : memref<10240x128xf32, #tpu.memory_space<vmem_shared>>) offsets(%dma_start3A_139 : memref<128xi32, #tpu.memory_space<vmem>>) semaphore(%run_scoped3A_136 : memref<!tpu.dma_semaphore, #tpu.memory_space<semaphore_mem>>) {add = true}
        %dma_wait3A_143 = arith.constant 0 : i32
        %dma_wait3A_144 = tpu.memref_slice %arg8[%run_scoped3A_135, %dma_wait3A_143] : memref<8x128xi32, #tpu.memory_space<vmem>> -> memref<1x128xi32, #tpu.memory_space<vmem>>
        %dma_wait3A_145 = tpu.memref_squeeze %dma_wait3A_144 : memref<1x128xi32, #tpu.memory_space<vmem>> -> memref<128xi32, #tpu.memory_space<vmem>>
        %dma_wait3A_146 = arith.constant 0 : i32
        %dma_wait3A_147 = arith.constant 0 : i32
        %dma_wait3A_148 = tpu.memref_slice %arg11[%dma_wait3A_146, %dma_wait3A_147] : memref<10240x128xf32, #tpu.memory_space<vmem_shared>> -> memref<10240x128xf32, #tpu.memory_space<vmem_shared>>
        tpu.wait_indirect_dma semaphore(%run_scoped3A_136 : memref<!tpu.dma_semaphore, #tpu.memory_space<semaphore_mem>>) src(%arg10 : memref<128x128xf32, #tpu.memory_space<vmem>>) dst(%dma_wait3A_148 : memref<10240x128xf32, #tpu.memory_space<vmem_shared>>)
        tpu.yield
      }) : () -> ()
    }
    %barrier3A_11 = arith.constant 0 : index
    tpu.barrier barrier_id(%barrier3A_11)
    %mul3A_12 = arith.constant 640 : i32
    %mul3A_13 = arith.muli %arg1, %mul3A_12 : i32
    %mul3A_14 = arith.constant 640 : i32
    %mul3A_15 = arith.muli %arg1, %mul3A_14 : i32
    "tpu.region"() ({
      %run_scoped3A = tpu.sem_alloc : memref<!tpu.dma_semaphore, #tpu.memory_space<semaphore_mem>>
      %dma_start3A = arith.constant 0 : i32
      %dma_start3A_16 = tpu.memref_slice %arg6[%arg0, %mul3A_15, %dma_start3A] : memref<2x10240x128xf32, #tpu.memory_space<hbm>> -> memref<1x640x128xf32, #tpu.memory_space<hbm>>
      %dma_start3A_17 = tpu.memref_squeeze %dma_start3A_16 : memref<1x640x128xf32, #tpu.memory_space<hbm>> -> memref<640x128xf32, #tpu.memory_space<hbm>>
      %dma_start3A_18 = arith.constant 0 : i32
      %dma_start3A_19 = tpu.memref_slice %arg11[%mul3A_13, %dma_start3A_18] : memref<10240x128xf32, #tpu.memory_space<vmem_shared>> -> memref<640x128xf32, #tpu.memory_space<vmem_shared>>
      tpu.enqueue_dma source(%dma_start3A_19 : memref<640x128xf32, #tpu.memory_space<vmem_shared>>) target(%dma_start3A_17 : memref<640x128xf32, #tpu.memory_space<hbm>>) target_semaphore(%run_scoped3A : memref<!tpu.dma_semaphore, #tpu.memory_space<semaphore_mem>>)
      %dma_wait3A = arith.constant 0 : i32
      %dma_wait3A_20 = tpu.memref_slice %arg6[%arg0, %mul3A_15, %dma_wait3A] : memref<2x10240x128xf32, #tpu.memory_space<hbm>> -> memref<1x640x128xf32, #tpu.memory_space<hbm>>
      %dma_wait3A_21 = tpu.memref_squeeze %dma_wait3A_20 : memref<1x640x128xf32, #tpu.memory_space<hbm>> -> memref<640x128xf32, #tpu.memory_space<hbm>>
      %dma_wait3A_22 = arith.constant 0 : i32
      %dma_wait3A_23 = tpu.memref_slice %arg11[%mul3A_13, %dma_wait3A_22] : memref<10240x128xf32, #tpu.memory_space<vmem_shared>> -> memref<640x128xf32, #tpu.memory_space<vmem_shared>>
      tpu.wait_dma2 semaphore(%run_scoped3A : memref<!tpu.dma_semaphore, #tpu.memory_space<semaphore_mem>>) src(%dma_wait3A_23 : memref<640x128xf32, #tpu.memory_space<vmem_shared>>) dst(%dma_wait3A_21 : memref<640x128xf32, #tpu.memory_space<hbm>>)
      tpu.yield
    }) : () -> ()
    return
  }
}

module attributes {stable_mosaic.version = 14 : i64} {
  func.func @_tangent_body(%arg0: i32, %arg1: memref<2000x128xf32, #tpu.memory_space<vmem>>, %arg2: memref<2000x128xf32, #tpu.memory_space<vmem>>) attributes {dimension_semantics = [#tpu.dimension_semantics<arbitrary>], iteration_bounds = array<i64: 5>, scalar_prefetch = 0 : i64, scratch_operands = 0 : i64, tpu.core_type = #tpu.core_type<tc>, window_params = [{transform_indices = @transform_0, window_bounds = array<i64: 2000, 128>}, {transform_indices = @transform_1, window_bounds = array<i64: 2000, 128>}]} {
    %get3A = arith.constant 0 : index
    %get3A_0 = arith.constant 0 : index
    %get3A_1 = vector.load %arg1[%get3A, %get3A_0] : memref<2000x128xf32, #tpu.memory_space<vmem>>, vector<2000x128xf32>
    %iota3A = tpu.iota {dimensions = array<i32: 1>} : vector<2000x128xi32>
    %eq3A = arith.constant 0 : i32
    %eq3A_2 = vector.broadcast %eq3A : i32 to vector<2000x128xi32>
    %eq3A_3 = arith.cmpi eq, %iota3A, %eq3A_2 : vector<2000x128xi32>
    %jit3A = arith.constant 0.000000e+00 : f64
    %convert_element_type3A = arith.truncf %jit3A : f64 to f32
    %broadcast_in_dim3A = vector.broadcast %convert_element_type3A : f32 to vector<2000x128xf32>
    %select_n3A = arith.select %eq3A_3, %broadcast_in_dim3A, %get3A_1 : vector<2000x128xi1>, vector<2000x128xf32>
    %mul3A = arith.mulf %select_n3A, %select_n3A : vector<2000x128xf32>
    %reduce_sum3A = arith.constant dense<0.000000e+00> : vector<2000xf32>
    %reduce_sum3A_4 = vector.multi_reduction <add>, %mul3A, %reduce_sum3A [1] : vector<2000x128xf32> to vector<2000xf32>
    %broadcast_in_dim3A_5 = vector.shape_cast %reduce_sum3A_4 : vector<2000xf32> to vector<2000x1xf32>
    %sqrt3A = math.sqrt %broadcast_in_dim3A_5 : vector<2000x1xf32>
    %max3A = arith.constant 1.000000e-15 : f32
    %max3A_6 = vector.broadcast %max3A : f32 to vector<2000x1xf32>
    %max3A_7 = arith.maximumf %sqrt3A, %max3A_6 : vector<2000x1xf32>
    %exp3A = math.exp %max3A_7 : vector<2000x1xf32>
    %div3A = arith.constant 1.000000e+00 : f32
    %div3A_8 = vector.broadcast %div3A : f32 to vector<2000x1xf32>
    %div3A_9 = arith.divf %div3A_8, %exp3A : vector<2000x1xf32>
    %sub3A = arith.subf %exp3A, %div3A_9 : vector<2000x1xf32>
    %mul3A_10 = arith.constant 5.000000e-01 : f32
    %mul3A_11 = vector.broadcast %mul3A_10 : f32 to vector<2000x1xf32>
    %mul3A_12 = arith.mulf %mul3A_11, %sub3A : vector<2000x1xf32>
    %mul3A_13 = vector.broadcast %mul3A_12 : vector<2000x1xf32> to vector<2000x128xf32>
    %mul3A_14 = arith.mulf %mul3A_13, %select_n3A : vector<2000x128xf32>
    %div3A_15 = vector.broadcast %max3A_7 : vector<2000x1xf32> to vector<2000x128xf32>
    %div3A_16 = arith.divf %mul3A_14, %div3A_15 : vector<2000x128xf32>
    %mul3A_17 = arith.mulf %div3A_16, %div3A_16 : vector<2000x128xf32>
    %reduce_sum3A_18 = arith.constant dense<0.000000e+00> : vector<2000xf32>
    %reduce_sum3A_19 = vector.multi_reduction <add>, %mul3A_17, %reduce_sum3A_18 [1] : vector<2000x128xf32> to vector<2000xf32>
    %broadcast_in_dim3A_20 = vector.shape_cast %reduce_sum3A_19 : vector<2000xf32> to vector<2000x1xf32>
    %add3A = arith.constant 1.000000e+00 : f32
    %add3A_21 = vector.broadcast %add3A : f32 to vector<2000x1xf32>
    %add3A_22 = arith.addf %add3A_21, %broadcast_in_dim3A_20 : vector<2000x1xf32>
    %max3A_23 = arith.constant 1.000000e-07 : f32
    %max3A_24 = vector.broadcast %max3A_23 : f32 to vector<2000x1xf32>
    %max3A_25 = arith.maximumf %add3A_22, %max3A_24 : vector<2000x1xf32>
    %sqrt3A_26 = math.sqrt %max3A_25 : vector<2000x1xf32>
    %sqrt3A_27 = math.sqrt %broadcast_in_dim3A_20 : vector<2000x1xf32>
    %max3A_28 = arith.constant 1.000000e-15 : f32
    %max3A_29 = vector.broadcast %max3A_28 : f32 to vector<2000x1xf32>
    %max3A_30 = arith.maximumf %sqrt3A_27, %max3A_29 : vector<2000x1xf32>
    %max3A_31 = arith.constant 1.00000012 : f32
    %max3A_32 = vector.broadcast %max3A_31 : f32 to vector<2000x1xf32>
    %max3A_33 = arith.maximumf %sqrt3A_26, %max3A_32 : vector<2000x1xf32>
    %eq3A_34 = arith.constant 0 : i32
    %eq3A_35 = vector.broadcast %eq3A_34 : i32 to vector<2000x128xi32>
    %eq3A_36 = arith.cmpi eq, %iota3A, %eq3A_35 : vector<2000x128xi32>
    %mul3A_37 = arith.mulf %max3A_33, %max3A_33 : vector<2000x1xf32>
    %sub3A_38 = arith.constant 1.000000e+00 : f32
    %sub3A_39 = vector.broadcast %sub3A_38 : f32 to vector<2000x1xf32>
    %sub3A_40 = arith.subf %mul3A_37, %sub3A_39 : vector<2000x1xf32>
    %jit3A_41 = arith.constant 0.000000e+00 : f64
    %convert_element_type3A_42 = arith.truncf %jit3A_41 : f64 to f32
    %max3A_43 = vector.broadcast %convert_element_type3A_42 : f32 to vector<2000x1xf32>
    %max3A_44 = arith.maximumf %max3A_43, %sub3A_40 : vector<2000x1xf32>
    %sqrt3A_45 = math.sqrt %max3A_44 : vector<2000x1xf32>
    %add3A_46 = arith.addf %max3A_33, %sqrt3A_45 : vector<2000x1xf32>
    %log3A = math.log %add3A_46 : vector<2000x1xf32>
    %div3A_47 = arith.divf %log3A, %max3A_30 : vector<2000x1xf32>
    %mul3A_48 = vector.broadcast %div3A_47 : vector<2000x1xf32> to vector<2000x128xf32>
    %mul3A_49 = arith.mulf %mul3A_48, %div3A_16 : vector<2000x128xf32>
    %jit3A_50 = arith.constant 0.000000e+00 : f64
    %convert_element_type3A_51 = arith.truncf %jit3A_50 : f64 to f32
    %broadcast_in_dim3A_52 = vector.broadcast %convert_element_type3A_51 : f32 to vector<2000x128xf32>
    %select_n3A_53 = arith.select %eq3A_36, %broadcast_in_dim3A_52, %mul3A_49 : vector<2000x128xi1>, vector<2000x128xf32>
    %swap3A = arith.constant 0 : index
    %swap3A_54 = arith.constant 0 : index
    %swap3A_55 = vector.load %arg2[%swap3A, %swap3A_54] : memref<2000x128xf32, #tpu.memory_space<vmem>>, vector<2000x128xf32>
    tpu.vector_store %arg2[%swap3A, %swap3A_54], %select_n3A_53 {strides = array<i32>} : memref<2000x128xf32, #tpu.memory_space<vmem>>, vector<2000x128xf32>,
    return
  }
  func.func @transform_0(%arg0: i32) -> (i32, i32) {
    %c0_i32 = arith.constant 0 : i32
    %c0_i32_0 = arith.constant 0 : i32
    return %arg0, %c0_i32 : i32, i32
  }
  func.func @transform_1(%arg0: i32) -> (i32, i32) {
    %c0_i32 = arith.constant 0 : i32
    %c0_i32_0 = arith.constant 0 : i32
    return %arg0, %c0_i32 : i32, i32
  }
}

module attributes {stable_mosaic.version = 14 : i64} {
  func.func @_combine_body(%arg0: i32, %arg1: memref<1xf32, #tpu.memory_space<smem>>, %arg2: memref<2000x128xf32, #tpu.memory_space<vmem>>, %arg3: memref<2000x128xf32, #tpu.memory_space<vmem>>, %arg4: memref<2x2000x128xf32, #tpu.memory_space<vmem>>, %arg5: memref<128x128xf32, #tpu.memory_space<vmem>>, %arg6: memref<1x128xf32, #tpu.memory_space<vmem>>, %arg7: memref<128x128xf32, #tpu.memory_space<vmem>>, %arg8: memref<1x128xf32, #tpu.memory_space<vmem>>, %arg9: memref<2000x128xf32, #tpu.memory_space<vmem>>) attributes {dimension_semantics = [#tpu.dimension_semantics<arbitrary>], iteration_bounds = array<i64: 5>, scalar_prefetch = 0 : i64, scratch_operands = 0 : i64, tpu.core_type = #tpu.core_type<tc>, window_params = [{transform_indices = @transform_0, window_bounds = array<i64: 1>}, {transform_indices = @transform_1, window_bounds = array<i64: 2000, 128>}, {transform_indices = @transform_2, window_bounds = array<i64: 2000, 128>}, {transform_indices = @transform_3, window_bounds = array<i64: 2, 2000, 128>}, {pipeline_mode = #tpu.pipeline_mode<synchronous>, transform_indices = @transform_4, window_bounds = array<i64: 128, 128>}, {pipeline_mode = #tpu.pipeline_mode<synchronous>, transform_indices = @transform_5, window_bounds = array<i64: 1, 128>}, {pipeline_mode = #tpu.pipeline_mode<synchronous>, transform_indices = @transform_6, window_bounds = array<i64: 128, 128>}, {pipeline_mode = #tpu.pipeline_mode<synchronous>, transform_indices = @transform_7, window_bounds = array<i64: 1, 128>}, {transform_indices = @transform_8, window_bounds = array<i64: 2000, 128>}]} {
    %get3A = arith.constant 0 : index
    %get3A_0 = memref.load %arg1[%get3A] : memref<1xf32, #tpu.memory_space<smem>>
    %get3A_1 = arith.constant 0 : index
    %get3A_2 = arith.constant 0 : index
    %get3A_3 = vector.load %arg2[%get3A_1, %get3A_2] : memref<2000x128xf32, #tpu.memory_space<vmem>>, vector<2000x128xf32>
    %get3A_4 = arith.constant 0 : index
    %get3A_5 = arith.constant 0 : index
    %get3A_6 = vector.load %arg3[%get3A_4, %get3A_5] : memref<2000x128xf32, #tpu.memory_space<vmem>>, vector<2000x128xf32>
    %get3A_7 = arith.constant 0 : index
    %get3A_8 = arith.constant 0 : index
    %get3A_9 = arith.constant 0 : index
    %get3A_10 = vector.load %arg4[%get3A_7, %get3A_8, %get3A_9] : memref<2x2000x128xf32, #tpu.memory_space<vmem>>, vector<1x2000x128xf32>
    %get3A_11 = vector.shape_cast %get3A_10 : vector<1x2000x128xf32> to vector<2000x128xf32>
    %get3A_12 = arith.constant 1 : index
    %get3A_13 = arith.constant 0 : index
    %get3A_14 = arith.constant 0 : index
    %get3A_15 = vector.load %arg4[%get3A_12, %get3A_13, %get3A_14] : memref<2x2000x128xf32, #tpu.memory_space<vmem>>, vector<1x2000x128xf32>
    %get3A_16 = vector.shape_cast %get3A_15 : vector<1x2000x128xf32> to vector<2000x128xf32>
    %add3A = arith.addf %get3A_11, %get3A_16 : vector<2000x128xf32>
    %iota3A = tpu.iota {dimensions = array<i32: 1>} : vector<2000x128xi32>
    %eq3A = arith.constant 0 : i32
    %eq3A_17 = vector.broadcast %eq3A : i32 to vector<2000x128xi32>
    %eq3A_18 = arith.cmpi eq, %iota3A, %eq3A_17 : vector<2000x128xi32>
    %jit3A = arith.constant 0.000000e+00 : f64
    %convert_element_type3A = arith.truncf %jit3A : f64 to f32
    %broadcast_in_dim3A = vector.broadcast %convert_element_type3A : f32 to vector<2000x128xf32>
    %select_n3A = arith.select %eq3A_18, %broadcast_in_dim3A, %get3A_3 : vector<2000x128xi1>, vector<2000x128xf32>
    %mul3A = arith.mulf %select_n3A, %select_n3A : vector<2000x128xf32>
    %reduce_sum3A = arith.constant dense<0.000000e+00> : vector<2000xf32>
    %reduce_sum3A_19 = vector.multi_reduction <add>, %mul3A, %reduce_sum3A [1] : vector<2000x128xf32> to vector<2000xf32>
    %broadcast_in_dim3A_20 = vector.shape_cast %reduce_sum3A_19 : vector<2000xf32> to vector<2000x1xf32>
    %sqrt3A = math.sqrt %broadcast_in_dim3A_20 : vector<2000x1xf32>
    %max3A = arith.constant 1.000000e-15 : f32
    %max3A_21 = vector.broadcast %max3A : f32 to vector<2000x1xf32>
    %max3A_22 = arith.maximumf %sqrt3A, %max3A_21 : vector<2000x1xf32>
    %exp3A = math.exp %max3A_22 : vector<2000x1xf32>
    %div3A = arith.constant 1.000000e+00 : f32
    %div3A_23 = vector.broadcast %div3A : f32 to vector<2000x1xf32>
    %div3A_24 = arith.divf %div3A_23, %exp3A : vector<2000x1xf32>
    %sub3A = arith.subf %exp3A, %div3A_24 : vector<2000x1xf32>
    %mul3A_25 = arith.constant 5.000000e-01 : f32
    %mul3A_26 = vector.broadcast %mul3A_25 : f32 to vector<2000x1xf32>
    %mul3A_27 = arith.mulf %mul3A_26, %sub3A : vector<2000x1xf32>
    %mul3A_28 = vector.broadcast %mul3A_27 : vector<2000x1xf32> to vector<2000x128xf32>
    %mul3A_29 = arith.mulf %mul3A_28, %select_n3A : vector<2000x128xf32>
    %div3A_30 = vector.broadcast %max3A_22 : vector<2000x1xf32> to vector<2000x128xf32>
    %div3A_31 = arith.divf %mul3A_29, %div3A_30 : vector<2000x128xf32>
    %mul3A_32 = arith.mulf %div3A_31, %div3A_31 : vector<2000x128xf32>
    %reduce_sum3A_33 = arith.constant dense<0.000000e+00> : vector<2000xf32>
    %reduce_sum3A_34 = vector.multi_reduction <add>, %mul3A_32, %reduce_sum3A_33 [1] : vector<2000x128xf32> to vector<2000xf32>
    %broadcast_in_dim3A_35 = vector.shape_cast %reduce_sum3A_34 : vector<2000xf32> to vector<2000x1xf32>
    %add3A_36 = arith.constant 1.000000e+00 : f32
    %add3A_37 = vector.broadcast %add3A_36 : f32 to vector<2000x1xf32>
    %add3A_38 = arith.addf %add3A_37, %broadcast_in_dim3A_35 : vector<2000x1xf32>
    %max3A_39 = arith.constant 1.000000e-07 : f32
    %max3A_40 = vector.broadcast %max3A_39 : f32 to vector<2000x1xf32>
    %max3A_41 = arith.maximumf %add3A_38, %max3A_40 : vector<2000x1xf32>
    %sqrt3A_42 = math.sqrt %max3A_41 : vector<2000x1xf32>
    %eq3A_43 = arith.constant 0 : i32
    %eq3A_44 = vector.broadcast %eq3A_43 : i32 to vector<2000x128xi32>
    %eq3A_45 = arith.cmpi eq, %iota3A, %eq3A_44 : vector<2000x128xi32>
    %broadcast_in_dim3A_46 = vector.shape_cast %sqrt3A_42 : vector<2000x1xf32> to vector<2000x1xf32>
    %broadcast_in_dim3A_47 = vector.broadcast %broadcast_in_dim3A_46 : vector<2000x1xf32> to vector<2000x128xf32>
    %select_n3A_48 = arith.select %eq3A_45, %broadcast_in_dim3A_47, %div3A_31 : vector<2000x128xi1>, vector<2000x128xf32>
    %eq3A_49 = arith.constant 0 : i32
    %eq3A_50 = vector.broadcast %eq3A_49 : i32 to vector<2000x128xi32>
    %eq3A_51 = arith.cmpi eq, %iota3A, %eq3A_50 : vector<2000x128xi32>
    %jit3A_52 = arith.constant 0.000000e+00 : f64
    %convert_element_type3A_53 = arith.truncf %jit3A_52 : f64 to f32
    %broadcast_in_dim3A_54 = vector.broadcast %convert_element_type3A_53 : f32 to vector<2000x128xf32>
    %select_n3A_55 = arith.select %eq3A_51, %broadcast_in_dim3A_54, %add3A : vector<2000x128xi1>, vector<2000x128xf32>
    %mul3A_56 = arith.mulf %select_n3A_55, %select_n3A_55 : vector<2000x128xf32>
    %reduce_sum3A_57 = arith.constant dense<0.000000e+00> : vector<2000xf32>
    %reduce_sum3A_58 = vector.multi_reduction <add>, %mul3A_56, %reduce_sum3A_57 [1] : vector<2000x128xf32> to vector<2000xf32>
    %broadcast_in_dim3A_59 = vector.shape_cast %reduce_sum3A_58 : vector<2000xf32> to vector<2000x1xf32>
    %sqrt3A_60 = math.sqrt %broadcast_in_dim3A_59 : vector<2000x1xf32>
    %max3A_61 = arith.constant 1.000000e-15 : f32
    %max3A_62 = vector.broadcast %max3A_61 : f32 to vector<2000x1xf32>
    %max3A_63 = arith.maximumf %sqrt3A_60, %max3A_62 : vector<2000x1xf32>
    %exp3A_64 = math.exp %max3A_63 : vector<2000x1xf32>
    %div3A_65 = arith.constant 1.000000e+00 : f32
    %div3A_66 = vector.broadcast %div3A_65 : f32 to vector<2000x1xf32>
    %div3A_67 = arith.divf %div3A_66, %exp3A_64 : vector<2000x1xf32>
    %sub3A_68 = arith.subf %exp3A_64, %div3A_67 : vector<2000x1xf32>
    %mul3A_69 = arith.constant 5.000000e-01 : f32
    %mul3A_70 = vector.broadcast %mul3A_69 : f32 to vector<2000x1xf32>
    %mul3A_71 = arith.mulf %mul3A_70, %sub3A_68 : vector<2000x1xf32>
    %mul3A_72 = vector.broadcast %mul3A_71 : vector<2000x1xf32> to vector<2000x128xf32>
    %mul3A_73 = arith.mulf %mul3A_72, %select_n3A_55 : vector<2000x128xf32>
    %div3A_74 = vector.broadcast %max3A_63 : vector<2000x1xf32> to vector<2000x128xf32>
    %div3A_75 = arith.divf %mul3A_73, %div3A_74 : vector<2000x128xf32>
    %mul3A_76 = arith.mulf %div3A_75, %div3A_75 : vector<2000x128xf32>
    %reduce_sum3A_77 = arith.constant dense<0.000000e+00> : vector<2000xf32>
    %reduce_sum3A_78 = vector.multi_reduction <add>, %mul3A_76, %reduce_sum3A_77 [1] : vector<2000x128xf32> to vector<2000xf32>
    %broadcast_in_dim3A_79 = vector.shape_cast %reduce_sum3A_78 : vector<2000xf32> to vector<2000x1xf32>
    %add3A_80 = arith.constant 1.000000e+00 : f32
    %add3A_81 = vector.broadcast %add3A_80 : f32 to vector<2000x1xf32>
    %add3A_82 = arith.addf %add3A_81, %broadcast_in_dim3A_79 : vector<2000x1xf32>
    %max3A_83 = arith.constant 1.000000e-07 : f32
    %max3A_84 = vector.broadcast %max3A_83 : f32 to vector<2000x1xf32>
    %max3A_85 = arith.maximumf %add3A_82, %max3A_84 : vector<2000x1xf32>
    %sqrt3A_86 = math.sqrt %max3A_85 : vector<2000x1xf32>
    %eq3A_87 = arith.constant 0 : i32
    %eq3A_88 = vector.broadcast %eq3A_87 : i32 to vector<2000x128xi32>
    %eq3A_89 = arith.cmpi eq, %iota3A, %eq3A_88 : vector<2000x128xi32>
    %broadcast_in_dim3A_90 = vector.shape_cast %sqrt3A_86 : vector<2000x1xf32> to vector<2000x1xf32>
    %broadcast_in_dim3A_91 = vector.broadcast %broadcast_in_dim3A_90 : vector<2000x1xf32> to vector<2000x128xf32>
    %select_n3A_92 = arith.select %eq3A_89, %broadcast_in_dim3A_91, %div3A_75 : vector<2000x128xi1>, vector<2000x128xf32>
    %eq3A_93 = arith.constant 0 : i32
    %eq3A_94 = vector.broadcast %eq3A_93 : i32 to vector<2000x128xi32>
    %eq3A_95 = arith.cmpi eq, %iota3A, %eq3A_94 : vector<2000x128xi32>
    %jit3A_96 = arith.constant 0.000000e+00 : f64
    %convert_element_type3A_97 = arith.truncf %jit3A_96 : f64 to f32
    %broadcast_in_dim3A_98 = vector.broadcast %convert_element_type3A_97 : f32 to vector<2000x128xf32>
    %select_n3A_99 = arith.select %eq3A_95, %broadcast_in_dim3A_98, %select_n3A_92 : vector<2000x128xi1>, vector<2000x128xf32>
    %mul3A_100 = arith.mulf %select_n3A_99, %select_n3A_99 : vector<2000x128xf32>
    %reduce_sum3A_101 = arith.constant dense<0.000000e+00> : vector<2000xf32>
    %reduce_sum3A_102 = vector.multi_reduction <add>, %mul3A_100, %reduce_sum3A_101 [1] : vector<2000x128xf32> to vector<2000xf32>
    %broadcast_in_dim3A_103 = vector.shape_cast %reduce_sum3A_102 : vector<2000xf32> to vector<2000x1xf32>
    %sqrt3A_104 = math.sqrt %broadcast_in_dim3A_103 : vector<2000x1xf32>
    %max3A_105 = arith.constant 1.000000e-15 : f32
    %max3A_106 = vector.broadcast %max3A_105 : f32 to vector<2000x1xf32>
    %max3A_107 = arith.maximumf %sqrt3A_104, %max3A_106 : vector<2000x1xf32>
    %eq3A_108 = arith.constant 0 : i32
    %eq3A_109 = vector.broadcast %eq3A_108 : i32 to vector<2000x128xi32>
    %eq3A_110 = arith.cmpi eq, %iota3A, %eq3A_109 : vector<2000x128xi32>
    %jit3A_111 = arith.constant 0.000000e+00 : f64
    %convert_element_type3A_112 = arith.truncf %jit3A_111 : f64 to f32
    %broadcast_in_dim3A_113 = vector.broadcast %convert_element_type3A_112 : f32 to vector<2000x128xf32>
    %select_n3A_114 = arith.select %eq3A_110, %select_n3A_92, %broadcast_in_dim3A_113 : vector<2000x128xi1>, vector<2000x128xf32>
    %reduce_sum3A_115 = arith.constant dense<0.000000e+00> : vector<2000xf32>
    %reduce_sum3A_116 = vector.multi_reduction <add>, %select_n3A_114, %reduce_sum3A_115 [1] : vector<2000x128xf32> to vector<2000xf32>
    %broadcast_in_dim3A_117 = vector.shape_cast %reduce_sum3A_116 : vector<2000xf32> to vector<2000x1xf32>
    %max3A_118 = arith.constant 1.00000012 : f32
    %max3A_119 = vector.broadcast %max3A_118 : f32 to vector<2000x1xf32>
    %max3A_120 = arith.maximumf %broadcast_in_dim3A_117, %max3A_119 : vector<2000x1xf32>
    %eq3A_121 = arith.constant 0 : i32
    %eq3A_122 = vector.broadcast %eq3A_121 : i32 to vector<2000x128xi32>
    %eq3A_123 = arith.cmpi eq, %iota3A, %eq3A_122 : vector<2000x128xi32>
    %mul3A_124 = arith.mulf %max3A_120, %max3A_120 : vector<2000x1xf32>
    %sub3A_125 = arith.constant 1.000000e+00 : f32
    %sub3A_126 = vector.broadcast %sub3A_125 : f32 to vector<2000x1xf32>
    %sub3A_127 = arith.subf %mul3A_124, %sub3A_126 : vector<2000x1xf32>
    %jit3A_128 = arith.constant 0.000000e+00 : f64
    %convert_element_type3A_129 = arith.truncf %jit3A_128 : f64 to f32
    %max3A_130 = vector.broadcast %convert_element_type3A_129 : f32 to vector<2000x1xf32>
    %max3A_131 = arith.maximumf %max3A_130, %sub3A_127 : vector<2000x1xf32>
    %sqrt3A_132 = math.sqrt %max3A_131 : vector<2000x1xf32>
    %add3A_133 = arith.addf %max3A_120, %sqrt3A_132 : vector<2000x1xf32>
    %log3A = math.log %add3A_133 : vector<2000x1xf32>
    %div3A_134 = arith.divf %log3A, %max3A_107 : vector<2000x1xf32>
    %mul3A_135 = vector.broadcast %div3A_134 : vector<2000x1xf32> to vector<2000x128xf32>
    %mul3A_136 = arith.mulf %mul3A_135, %select_n3A_99 : vector<2000x128xf32>
    %jit3A_137 = arith.constant 0.000000e+00 : f64
    %convert_element_type3A_138 = arith.truncf %jit3A_137 : f64 to f32
    %broadcast_in_dim3A_139 = vector.broadcast %convert_element_type3A_138 : f32 to vector<2000x128xf32>
    %select_n3A_140 = arith.select %eq3A_123, %broadcast_in_dim3A_139, %mul3A_136 : vector<2000x128xi1>, vector<2000x128xf32>
    %mul3A_141 = arith.mulf %select_n3A_48, %select_n3A_92 : vector<2000x128xf32>
    %reduce_sum3A_142 = arith.constant dense<0.000000e+00> : vector<2000xf32>
    %reduce_sum3A_143 = vector.multi_reduction <add>, %mul3A_141, %reduce_sum3A_142 [1] : vector<2000x128xf32> to vector<2000xf32>
    %broadcast_in_dim3A_144 = vector.shape_cast %reduce_sum3A_143 : vector<2000xf32> to vector<2000x1xf32>
    %eq3A_145 = arith.constant 0 : i32
    %eq3A_146 = vector.broadcast %eq3A_145 : i32 to vector<2000x128xi32>
    %eq3A_147 = arith.cmpi eq, %iota3A, %eq3A_146 : vector<2000x128xi32>
    %jit3A_148 = arith.constant 0.000000e+00 : f64
    %convert_element_type3A_149 = arith.truncf %jit3A_148 : f64 to f32
    %broadcast_in_dim3A_150 = vector.broadcast %convert_element_type3A_149 : f32 to vector<2000x128xf32>
    %select_n3A_151 = arith.select %eq3A_147, %select_n3A_48, %broadcast_in_dim3A_150 : vector<2000x128xi1>, vector<2000x128xf32>
    %reduce_sum3A_152 = arith.constant dense<0.000000e+00> : vector<2000xf32>
    %reduce_sum3A_153 = vector.multi_reduction <add>, %select_n3A_151, %reduce_sum3A_152 [1] : vector<2000x128xf32> to vector<2000xf32>
    %broadcast_in_dim3A_154 = vector.shape_cast %reduce_sum3A_153 : vector<2000xf32> to vector<2000x1xf32>
    %mul3A_155 = arith.constant 2.000000e+00 : f32
    %mul3A_156 = vector.broadcast %mul3A_155 : f32 to vector<2000x1xf32>
    %mul3A_157 = arith.mulf %mul3A_156, %broadcast_in_dim3A_154 : vector<2000x1xf32>
    %eq3A_158 = arith.constant 0 : i32
    %eq3A_159 = vector.broadcast %eq3A_158 : i32 to vector<2000x128xi32>
    %eq3A_160 = arith.cmpi eq, %iota3A, %eq3A_159 : vector<2000x128xi32>
    %jit3A_161 = arith.constant 0.000000e+00 : f64
    %convert_element_type3A_162 = arith.truncf %jit3A_161 : f64 to f32
    %broadcast_in_dim3A_163 = vector.broadcast %convert_element_type3A_162 : f32 to vector<2000x128xf32>
    %select_n3A_164 = arith.select %eq3A_160, %select_n3A_92, %broadcast_in_dim3A_163 : vector<2000x128xi1>, vector<2000x128xf32>
    %reduce_sum3A_165 = arith.constant dense<0.000000e+00> : vector<2000xf32>
    %reduce_sum3A_166 = vector.multi_reduction <add>, %select_n3A_164, %reduce_sum3A_165 [1] : vector<2000x128xf32> to vector<2000xf32>
    %broadcast_in_dim3A_167 = vector.shape_cast %reduce_sum3A_166 : vector<2000xf32> to vector<2000x1xf32>
    %mul3A_168 = arith.mulf %mul3A_157, %broadcast_in_dim3A_167 : vector<2000x1xf32>
    %sub3A_169 = arith.subf %broadcast_in_dim3A_144, %mul3A_168 : vector<2000x1xf32>
    %neg3A = arith.constant 0.000000e+00 : f32
    %neg3A_170 = vector.broadcast %neg3A : f32 to vector<2000x1xf32>
    %neg3A_171 = arith.subf %neg3A_170, %sub3A_169 : vector<2000x1xf32>
    %max3A_172 = arith.constant 1.00000012 : f32
    %max3A_173 = vector.broadcast %max3A_172 : f32 to vector<2000x1xf32>
    %max3A_174 = arith.maximumf %neg3A_171, %max3A_173 : vector<2000x1xf32>
    %mul3A_175 = arith.mulf %max3A_174, %max3A_174 : vector<2000x1xf32>
    %sub3A_176 = arith.constant 1.000000e+00 : f32
    %sub3A_177 = vector.broadcast %sub3A_176 : f32 to vector<2000x1xf32>
    %sub3A_178 = arith.subf %mul3A_175, %sub3A_177 : vector<2000x1xf32>
    %jit3A_179 = arith.constant 0.000000e+00 : f64
    %convert_element_type3A_180 = arith.truncf %jit3A_179 : f64 to f32
    %max3A_181 = vector.broadcast %convert_element_type3A_180 : f32 to vector<2000x1xf32>
    %max3A_182 = arith.maximumf %max3A_181, %sub3A_178 : vector<2000x1xf32>
    %sqrt3A_183 = math.sqrt %max3A_182 : vector<2000x1xf32>
    %add3A_184 = arith.addf %max3A_174, %sqrt3A_183 : vector<2000x1xf32>
    %log3A_185 = math.log %add3A_184 : vector<2000x1xf32>
    %integer_pow3A = arith.mulf %log3A_185, %log3A_185 : vector<2000x1xf32>
    %min3A = arith.constant 5.000000e+01 : f32
    %min3A_186 = vector.broadcast %min3A : f32 to vector<2000x1xf32>
    %min3A_187 = arith.minimumf %integer_pow3A, %min3A_186 : vector<2000x1xf32>
    %sqrt3A_188 = math.sqrt %min3A_187 : vector<2000x1xf32>
    %mul3A_189 = arith.mulf %select_n3A_48, %select_n3A_92 : vector<2000x128xf32>
    %reduce_sum3A_190 = arith.constant dense<0.000000e+00> : vector<2000xf32>
    %reduce_sum3A_191 = vector.multi_reduction <add>, %mul3A_189, %reduce_sum3A_190 [1] : vector<2000x128xf32> to vector<2000xf32>
    %broadcast_in_dim3A_192 = vector.shape_cast %reduce_sum3A_191 : vector<2000xf32> to vector<2000x1xf32>
    %eq3A_193 = arith.constant 0 : i32
    %eq3A_194 = vector.broadcast %eq3A_193 : i32 to vector<2000x128xi32>
    %eq3A_195 = arith.cmpi eq, %iota3A, %eq3A_194 : vector<2000x128xi32>
    %jit3A_196 = arith.constant 0.000000e+00 : f64
    %convert_element_type3A_197 = arith.truncf %jit3A_196 : f64 to f32
    %broadcast_in_dim3A_198 = vector.broadcast %convert_element_type3A_197 : f32 to vector<2000x128xf32>
    %select_n3A_199 = arith.select %eq3A_195, %select_n3A_48, %broadcast_in_dim3A_198 : vector<2000x128xi1>, vector<2000x128xf32>
    %reduce_sum3A_200 = arith.constant dense<0.000000e+00> : vector<2000xf32>
    %reduce_sum3A_201 = vector.multi_reduction <add>, %select_n3A_199, %reduce_sum3A_200 [1] : vector<2000x128xf32> to vector<2000xf32>
    %broadcast_in_dim3A_202 = vector.shape_cast %reduce_sum3A_201 : vector<2000xf32> to vector<2000x1xf32>
    %mul3A_203 = arith.constant 2.000000e+00 : f32
    %mul3A_204 = vector.broadcast %mul3A_203 : f32 to vector<2000x1xf32>
    %mul3A_205 = arith.mulf %mul3A_204, %broadcast_in_dim3A_202 : vector<2000x1xf32>
    %eq3A_206 = arith.constant 0 : i32
    %eq3A_207 = vector.broadcast %eq3A_206 : i32 to vector<2000x128xi32>
    %eq3A_208 = arith.cmpi eq, %iota3A, %eq3A_207 : vector<2000x128xi32>
    %jit3A_209 = arith.constant 0.000000e+00 : f64
    %convert_element_type3A_210 = arith.truncf %jit3A_209 : f64 to f32
    %broadcast_in_dim3A_211 = vector.broadcast %convert_element_type3A_210 : f32 to vector<2000x128xf32>
    %select_n3A_212 = arith.select %eq3A_208, %select_n3A_92, %broadcast_in_dim3A_211 : vector<2000x128xi1>, vector<2000x128xf32>
    %reduce_sum3A_213 = arith.constant dense<0.000000e+00> : vector<2000xf32>
    %reduce_sum3A_214 = vector.multi_reduction <add>, %select_n3A_212, %reduce_sum3A_213 [1] : vector<2000x128xf32> to vector<2000xf32>
    %broadcast_in_dim3A_215 = vector.shape_cast %reduce_sum3A_214 : vector<2000xf32> to vector<2000x1xf32>
    %mul3A_216 = arith.mulf %mul3A_205, %broadcast_in_dim3A_215 : vector<2000x1xf32>
    %sub3A_217 = arith.subf %broadcast_in_dim3A_192, %mul3A_216 : vector<2000x1xf32>
    %add3A_218 = arith.constant 1.000000e+00 : f32
    %add3A_219 = vector.broadcast %add3A_218 : f32 to vector<2000x1xf32>
    %add3A_220 = arith.addf %sub3A_217, %add3A_219 : vector<2000x1xf32>
    %min3A_221 = arith.constant -1.000000e-07 : f32
    %min3A_222 = vector.broadcast %min3A_221 : f32 to vector<2000x1xf32>
    %min3A_223 = arith.minimumf %add3A_220, %min3A_222 : vector<2000x1xf32>
    %sub3A_224 = arith.constant 1.000000e+00 : f32
    %sub3A_225 = vector.broadcast %sub3A_224 : f32 to vector<2000x1xf32>
    %sub3A_226 = arith.subf %min3A_223, %sub3A_225 : vector<2000x1xf32>
    %mul3A_227 = vector.broadcast %sub3A_226 : vector<2000x1xf32> to vector<2000x128xf32>
    %mul3A_228 = arith.mulf %mul3A_227, %select_n3A_48 : vector<2000x128xf32>
    %add3A_229 = arith.addf %select_n3A_92, %mul3A_228 : vector<2000x128xf32>
    %mul3A_230 = arith.mulf %add3A_229, %add3A_229 : vector<2000x128xf32>
    %reduce_sum3A_231 = arith.constant dense<0.000000e+00> : vector<2000xf32>
    %reduce_sum3A_232 = vector.multi_reduction <add>, %mul3A_230, %reduce_sum3A_231 [1] : vector<2000x128xf32> to vector<2000xf32>
    %broadcast_in_dim3A_233 = vector.shape_cast %reduce_sum3A_232 : vector<2000xf32> to vector<2000x1xf32>
    %eq3A_234 = arith.constant 0 : i32
    %eq3A_235 = vector.broadcast %eq3A_234 : i32 to vector<2000x128xi32>
    %eq3A_236 = arith.cmpi eq, %iota3A, %eq3A_235 : vector<2000x128xi32>
    %jit3A_237 = arith.constant 0.000000e+00 : f64
    %convert_element_type3A_238 = arith.truncf %jit3A_237 : f64 to f32
    %broadcast_in_dim3A_239 = vector.broadcast %convert_element_type3A_238 : f32 to vector<2000x128xf32>
    %select_n3A_240 = arith.select %eq3A_236, %add3A_229, %broadcast_in_dim3A_239 : vector<2000x128xi1>, vector<2000x128xf32>
    %reduce_sum3A_241 = arith.constant dense<0.000000e+00> : vector<2000xf32>
    %reduce_sum3A_242 = vector.multi_reduction <add>, %select_n3A_240, %reduce_sum3A_241 [1] : vector<2000x128xf32> to vector<2000xf32>
    %broadcast_in_dim3A_243 = vector.shape_cast %reduce_sum3A_242 : vector<2000xf32> to vector<2000x1xf32>
    %mul3A_244 = arith.constant 2.000000e+00 : f32
    %mul3A_245 = vector.broadcast %mul3A_244 : f32 to vector<2000x1xf32>
    %mul3A_246 = arith.mulf %mul3A_245, %broadcast_in_dim3A_243 : vector<2000x1xf32>
    %eq3A_247 = arith.constant 0 : i32
    %eq3A_248 = vector.broadcast %eq3A_247 : i32 to vector<2000x128xi32>
    %eq3A_249 = arith.cmpi eq, %iota3A, %eq3A_248 : vector<2000x128xi32>
    %jit3A_250 = arith.constant 0.000000e+00 : f64
    %convert_element_type3A_251 = arith.truncf %jit3A_250 : f64 to f32
    %broadcast_in_dim3A_252 = vector.broadcast %convert_element_type3A_251 : f32 to vector<2000x128xf32>
    %select_n3A_253 = arith.select %eq3A_249, %add3A_229, %broadcast_in_dim3A_252 : vector<2000x128xi1>, vector<2000x128xf32>
    %reduce_sum3A_254 = arith.constant dense<0.000000e+00> : vector<2000xf32>
    %reduce_sum3A_255 = vector.multi_reduction <add>, %select_n3A_253, %reduce_sum3A_254 [1] : vector<2000x128xf32> to vector<2000xf32>
    %broadcast_in_dim3A_256 = vector.shape_cast %reduce_sum3A_255 : vector<2000xf32> to vector<2000x1xf32>
    %mul3A_257 = arith.mulf %mul3A_246, %broadcast_in_dim3A_256 : vector<2000x1xf32>
    %sub3A_258 = arith.subf %broadcast_in_dim3A_233, %mul3A_257 : vector<2000x1xf32>
    %max3A_259 = arith.constant 1.000000e-07 : f32
    %max3A_260 = vector.broadcast %max3A_259 : f32 to vector<2000x1xf32>
    %max3A_261 = arith.maximumf %sub3A_258, %max3A_260 : vector<2000x1xf32>
    %sqrt3A_262 = math.sqrt %max3A_261 : vector<2000x1xf32>
    %max3A_263 = arith.constant 1.000000e-15 : f32
    %max3A_264 = vector.broadcast %max3A_263 : f32 to vector<2000x1xf32>
    %max3A_265 = arith.maximumf %sqrt3A_262, %max3A_264 : vector<2000x1xf32>
    %mul3A_266 = vector.broadcast %sqrt3A_188 : vector<2000x1xf32> to vector<2000x128xf32>
    %mul3A_267 = arith.mulf %mul3A_266, %add3A_229 : vector<2000x128xf32>
    %div3A_268 = vector.broadcast %max3A_265 : vector<2000x1xf32> to vector<2000x128xf32>
    %div3A_269 = arith.divf %mul3A_267, %div3A_268 : vector<2000x128xf32>
    %mul3A_270 = arith.mulf %select_n3A_92, %select_n3A_48 : vector<2000x128xf32>
    %reduce_sum3A_271 = arith.constant dense<0.000000e+00> : vector<2000xf32>
    %reduce_sum3A_272 = vector.multi_reduction <add>, %mul3A_270, %reduce_sum3A_271 [1] : vector<2000x128xf32> to vector<2000xf32>
    %broadcast_in_dim3A_273 = vector.shape_cast %reduce_sum3A_272 : vector<2000xf32> to vector<2000x1xf32>
    %eq3A_274 = arith.constant 0 : i32
    %eq3A_275 = vector.broadcast %eq3A_274 : i32 to vector<2000x128xi32>
    %eq3A_276 = arith.cmpi eq, %iota3A, %eq3A_275 : vector<2000x128xi32>
    %jit3A_277 = arith.constant 0.000000e+00 : f64
    %convert_element_type3A_278 = arith.truncf %jit3A_277 : f64 to f32
    %broadcast_in_dim3A_279 = vector.broadcast %convert_element_type3A_278 : f32 to vector<2000x128xf32>
    %select_n3A_280 = arith.select %eq3A_276, %select_n3A_92, %broadcast_in_dim3A_279 : vector<2000x128xi1>, vector<2000x128xf32>
    %reduce_sum3A_281 = arith.constant dense<0.000000e+00> : vector<2000xf32>
    %reduce_sum3A_282 = vector.multi_reduction <add>, %select_n3A_280, %reduce_sum3A_281 [1] : vector<2000x128xf32> to vector<2000xf32>
    %broadcast_in_dim3A_283 = vector.shape_cast %reduce_sum3A_282 : vector<2000xf32> to vector<2000x1xf32>
    %mul3A_284 = arith.constant 2.000000e+00 : f32
    %mul3A_285 = vector.broadcast %mul3A_284 : f32 to vector<2000x1xf32>
    %mul3A_286 = arith.mulf %mul3A_285, %broadcast_in_dim3A_283 : vector<2000x1xf32>
    %eq3A_287 = arith.constant 0 : i32
    %eq3A_288 = vector.broadcast %eq3A_287 : i32 to vector<2000x128xi32>
    %eq3A_289 = arith.cmpi eq, %iota3A, %eq3A_288 : vector<2000x128xi32>
    %jit3A_290 = arith.constant 0.000000e+00 : f64
    %convert_element_type3A_291 = arith.truncf %jit3A_290 : f64 to f32
    %broadcast_in_dim3A_292 = vector.broadcast %convert_element_type3A_291 : f32 to vector<2000x128xf32>
    %select_n3A_293 = arith.select %eq3A_289, %select_n3A_48, %broadcast_in_dim3A_292 : vector<2000x128xi1>, vector<2000x128xf32>
    %reduce_sum3A_294 = arith.constant dense<0.000000e+00> : vector<2000xf32>
    %reduce_sum3A_295 = vector.multi_reduction <add>, %select_n3A_293, %reduce_sum3A_294 [1] : vector<2000x128xf32> to vector<2000xf32>
    %broadcast_in_dim3A_296 = vector.shape_cast %reduce_sum3A_295 : vector<2000xf32> to vector<2000x1xf32>
    %mul3A_297 = arith.mulf %mul3A_286, %broadcast_in_dim3A_296 : vector<2000x1xf32>
    %sub3A_298 = arith.subf %broadcast_in_dim3A_273, %mul3A_297 : vector<2000x1xf32>
    %add3A_299 = arith.constant 1.000000e+00 : f32
    %add3A_300 = vector.broadcast %add3A_299 : f32 to vector<2000x1xf32>
    %add3A_301 = arith.addf %sub3A_298, %add3A_300 : vector<2000x1xf32>
    %min3A_302 = arith.constant -1.000000e-07 : f32
    %min3A_303 = vector.broadcast %min3A_302 : f32 to vector<2000x1xf32>
    %min3A_304 = arith.minimumf %add3A_301, %min3A_303 : vector<2000x1xf32>
    %sub3A_305 = arith.constant 1.000000e+00 : f32
    %sub3A_306 = vector.broadcast %sub3A_305 : f32 to vector<2000x1xf32>
    %sub3A_307 = arith.subf %min3A_304, %sub3A_306 : vector<2000x1xf32>
    %mul3A_308 = vector.broadcast %sub3A_307 : vector<2000x1xf32> to vector<2000x128xf32>
    %mul3A_309 = arith.mulf %mul3A_308, %select_n3A_92 : vector<2000x128xf32>
    %add3A_310 = arith.addf %select_n3A_48, %mul3A_309 : vector<2000x128xf32>
    %mul3A_311 = arith.mulf %add3A_310, %add3A_310 : vector<2000x128xf32>
    %reduce_sum3A_312 = arith.constant dense<0.000000e+00> : vector<2000xf32>
    %reduce_sum3A_313 = vector.multi_reduction <add>, %mul3A_311, %reduce_sum3A_312 [1] : vector<2000x128xf32> to vector<2000xf32>
    %broadcast_in_dim3A_314 = vector.shape_cast %reduce_sum3A_313 : vector<2000xf32> to vector<2000x1xf32>
    %eq3A_315 = arith.constant 0 : i32
    %eq3A_316 = vector.broadcast %eq3A_315 : i32 to vector<2000x128xi32>
    %eq3A_317 = arith.cmpi eq, %iota3A, %eq3A_316 : vector<2000x128xi32>
    %jit3A_318 = arith.constant 0.000000e+00 : f64
    %convert_element_type3A_319 = arith.truncf %jit3A_318 : f64 to f32
    %broadcast_in_dim3A_320 = vector.broadcast %convert_element_type3A_319 : f32 to vector<2000x128xf32>
    %select_n3A_321 = arith.select %eq3A_317, %add3A_310, %broadcast_in_dim3A_320 : vector<2000x128xi1>, vector<2000x128xf32>
    %reduce_sum3A_322 = arith.constant dense<0.000000e+00> : vector<2000xf32>
    %reduce_sum3A_323 = vector.multi_reduction <add>, %select_n3A_321, %reduce_sum3A_322 [1] : vector<2000x128xf32> to vector<2000xf32>
    %broadcast_in_dim3A_324 = vector.shape_cast %reduce_sum3A_323 : vector<2000xf32> to vector<2000x1xf32>
    %mul3A_325 = arith.constant 2.000000e+00 : f32
    %mul3A_326 = vector.broadcast %mul3A_325 : f32 to vector<2000x1xf32>
    %mul3A_327 = arith.mulf %mul3A_326, %broadcast_in_dim3A_324 : vector<2000x1xf32>
    %eq3A_328 = arith.constant 0 : i32
    %eq3A_329 = vector.broadcast %eq3A_328 : i32 to vector<2000x128xi32>
    %eq3A_330 = arith.cmpi eq, %iota3A, %eq3A_329 : vector<2000x128xi32>
    %jit3A_331 = arith.constant 0.000000e+00 : f64
    %convert_element_type3A_332 = arith.truncf %jit3A_331 : f64 to f32
    %broadcast_in_dim3A_333 = vector.broadcast %convert_element_type3A_332 : f32 to vector<2000x128xf32>
    %select_n3A_334 = arith.select %eq3A_330, %add3A_310, %broadcast_in_dim3A_333 : vector<2000x128xi1>, vector<2000x128xf32>
    %reduce_sum3A_335 = arith.constant dense<0.000000e+00> : vector<2000xf32>
    %reduce_sum3A_336 = vector.multi_reduction <add>, %select_n3A_334, %reduce_sum3A_335 [1] : vector<2000x128xf32> to vector<2000xf32>
    %broadcast_in_dim3A_337 = vector.shape_cast %reduce_sum3A_336 : vector<2000xf32> to vector<2000x1xf32>
    %mul3A_338 = arith.mulf %mul3A_327, %broadcast_in_dim3A_337 : vector<2000x1xf32>
    %sub3A_339 = arith.subf %broadcast_in_dim3A_314, %mul3A_338 : vector<2000x1xf32>
    %max3A_340 = arith.constant 1.000000e-07 : f32
    %max3A_341 = vector.broadcast %max3A_340 : f32 to vector<2000x1xf32>
    %max3A_342 = arith.maximumf %sub3A_339, %max3A_341 : vector<2000x1xf32>
    %sqrt3A_343 = math.sqrt %max3A_342 : vector<2000x1xf32>
    %max3A_344 = arith.constant 1.000000e-15 : f32
    %max3A_345 = vector.broadcast %max3A_344 : f32 to vector<2000x1xf32>
    %max3A_346 = arith.maximumf %sqrt3A_343, %max3A_345 : vector<2000x1xf32>
    %mul3A_347 = vector.broadcast %sqrt3A_188 : vector<2000x1xf32> to vector<2000x128xf32>
    %mul3A_348 = arith.mulf %mul3A_347, %add3A_310 : vector<2000x128xf32>
    %div3A_349 = vector.broadcast %max3A_346 : vector<2000x1xf32> to vector<2000x128xf32>
    %div3A_350 = arith.divf %mul3A_348, %div3A_349 : vector<2000x128xf32>
    %mul3A_351 = arith.mulf %div3A_269, %get3A_6 : vector<2000x128xf32>
    %reduce_sum3A_352 = arith.constant dense<0.000000e+00> : vector<2000xf32>
    %reduce_sum3A_353 = vector.multi_reduction <add>, %mul3A_351, %reduce_sum3A_352 [1] : vector<2000x128xf32> to vector<2000xf32>
    %broadcast_in_dim3A_354 = vector.shape_cast %reduce_sum3A_353 : vector<2000xf32> to vector<2000x1xf32>
    %eq3A_355 = arith.constant 0 : i32
    %eq3A_356 = vector.broadcast %eq3A_355 : i32 to vector<2000x128xi32>
    %eq3A_357 = arith.cmpi eq, %iota3A, %eq3A_356 : vector<2000x128xi32>
    %jit3A_358 = arith.constant 0.000000e+00 : f64
    %convert_element_type3A_359 = arith.truncf %jit3A_358 : f64 to f32
    %broadcast_in_dim3A_360 = vector.broadcast %convert_element_type3A_359 : f32 to vector<2000x128xf32>
    %select_n3A_361 = arith.select %eq3A_357, %div3A_269, %broadcast_in_dim3A_360 : vector<2000x128xi1>, vector<2000x128xf32>
    %reduce_sum3A_362 = arith.constant dense<0.000000e+00> : vector<2000xf32>
    %reduce_sum3A_363 = vector.multi_reduction <add>, %select_n3A_361, %reduce_sum3A_362 [1] : vector<2000x128xf32> to vector<2000xf32>
    %broadcast_in_dim3A_364 = vector.shape_cast %reduce_sum3A_363 : vector<2000xf32> to vector<2000x1xf32>
    %mul3A_365 = arith.constant 2.000000e+00 : f32
    %mul3A_366 = vector.broadcast %mul3A_365 : f32 to vector<2000x1xf32>
    %mul3A_367 = arith.mulf %mul3A_366, %broadcast_in_dim3A_364 : vector<2000x1xf32>
    %eq3A_368 = arith.constant 0 : i32
    %eq3A_369 = vector.broadcast %eq3A_368 : i32 to vector<2000x128xi32>
    %eq3A_370 = arith.cmpi eq, %iota3A, %eq3A_369 : vector<2000x128xi32>
    %jit3A_371 = arith.constant 0.000000e+00 : f64
    %convert_element_type3A_372 = arith.truncf %jit3A_371 : f64 to f32
    %broadcast_in_dim3A_373 = vector.broadcast %convert_element_type3A_372 : f32 to vector<2000x128xf32>
    %select_n3A_374 = arith.select %eq3A_370, %get3A_6, %broadcast_in_dim3A_373 : vector<2000x128xi1>, vector<2000x128xf32>
    %reduce_sum3A_375 = arith.constant dense<0.000000e+00> : vector<2000xf32>
    %reduce_sum3A_376 = vector.multi_reduction <add>, %select_n3A_374, %reduce_sum3A_375 [1] : vector<2000x128xf32> to vector<2000xf32>
    %broadcast_in_dim3A_377 = vector.shape_cast %reduce_sum3A_376 : vector<2000xf32> to vector<2000x1xf32>
    %mul3A_378 = arith.mulf %mul3A_367, %broadcast_in_dim3A_377 : vector<2000x1xf32>
    %sub3A_379 = arith.subf %broadcast_in_dim3A_354, %mul3A_378 : vector<2000x1xf32>
    %max3A_380 = arith.constant 1.000000e-15 : f32
    %max3A_381 = vector.broadcast %max3A_380 : f32 to vector<2000x1xf32>
    %max3A_382 = arith.maximumf %min3A_187, %max3A_381 : vector<2000x1xf32>
    %div3A_383 = arith.divf %sub3A_379, %max3A_382 : vector<2000x1xf32>
    %add3A_384 = arith.addf %div3A_269, %div3A_350 : vector<2000x128xf32>
    %mul3A_385 = vector.broadcast %div3A_383 : vector<2000x1xf32> to vector<2000x128xf32>
    %mul3A_386 = arith.mulf %mul3A_385, %add3A_384 : vector<2000x128xf32>
    %sub3A_387 = arith.subf %get3A_6, %mul3A_386 : vector<2000x128xf32>
    %eq3A_388 = arith.constant 0 : i32
    %eq3A_389 = vector.broadcast %eq3A_388 : i32 to vector<2000x128xi32>
    %eq3A_390 = arith.cmpi eq, %iota3A, %eq3A_389 : vector<2000x128xi32>
    %mul3A_391 = arith.mulf %select_n3A_92, %sub3A_387 : vector<2000x128xf32>
    %jit3A_392 = arith.constant 0.000000e+00 : f64
    %convert_element_type3A_393 = arith.truncf %jit3A_392 : f64 to f32
    %broadcast_in_dim3A_394 = vector.broadcast %convert_element_type3A_393 : f32 to vector<2000x128xf32>
    %select_n3A_395 = arith.select %eq3A_390, %broadcast_in_dim3A_394, %mul3A_391 : vector<2000x128xi1>, vector<2000x128xf32>
    %reduce_sum3A_396 = arith.constant dense<0.000000e+00> : vector<2000xf32>
    %reduce_sum3A_397 = vector.multi_reduction <add>, %select_n3A_395, %reduce_sum3A_396 [1] : vector<2000x128xf32> to vector<2000xf32>
    %broadcast_in_dim3A_398 = vector.shape_cast %reduce_sum3A_397 : vector<2000xf32> to vector<2000x1xf32>
    %eq3A_399 = arith.constant 0 : i32
    %eq3A_400 = vector.broadcast %eq3A_399 : i32 to vector<2000x128xi32>
    %eq3A_401 = arith.cmpi eq, %iota3A, %eq3A_400 : vector<2000x128xi32>
    %jit3A_402 = arith.constant 0.000000e+00 : f64
    %convert_element_type3A_403 = arith.truncf %jit3A_402 : f64 to f32
    %broadcast_in_dim3A_404 = vector.broadcast %convert_element_type3A_403 : f32 to vector<2000x128xf32>
    %select_n3A_405 = arith.select %eq3A_401, %select_n3A_92, %broadcast_in_dim3A_404 : vector<2000x128xi1>, vector<2000x128xf32>
    %reduce_sum3A_406 = arith.constant dense<0.000000e+00> : vector<2000xf32>
    %reduce_sum3A_407 = vector.multi_reduction <add>, %select_n3A_405, %reduce_sum3A_406 [1] : vector<2000x128xf32> to vector<2000xf32>
    %broadcast_in_dim3A_408 = vector.shape_cast %reduce_sum3A_407 : vector<2000xf32> to vector<2000x1xf32>
    %max3A_409 = arith.constant 1.000000e-07 : f32
    %max3A_410 = vector.broadcast %max3A_409 : f32 to vector<2000x1xf32>
    %max3A_411 = arith.maximumf %broadcast_in_dim3A_408, %max3A_410 : vector<2000x1xf32>
    %div3A_412 = arith.divf %broadcast_in_dim3A_398, %max3A_411 : vector<2000x1xf32>
    %eq3A_413 = arith.constant 0 : i32
    %eq3A_414 = vector.broadcast %eq3A_413 : i32 to vector<2000x128xi32>
    %eq3A_415 = arith.cmpi eq, %iota3A, %eq3A_414 : vector<2000x128xi32>
    %broadcast_in_dim3A_416 = vector.shape_cast %div3A_412 : vector<2000x1xf32> to vector<2000x1xf32>
    %broadcast_in_dim3A_417 = vector.broadcast %broadcast_in_dim3A_416 : vector<2000x1xf32> to vector<2000x128xf32>
    %select_n3A_418 = arith.select %eq3A_415, %broadcast_in_dim3A_417, %sub3A_387 : vector<2000x128xi1>, vector<2000x128xf32>
    %add3A_419 = arith.constant 1.000000e+00 : f32
    %add3A_420 = arith.addf %add3A_419, %get3A_0 : f32
    %mul3A_421 = vector.broadcast %add3A_420 : f32 to vector<2000x128xf32>
    %mul3A_422 = arith.mulf %mul3A_421, %select_n3A_418 : vector<2000x128xf32>
    %add3A_423 = arith.addf %select_n3A_140, %mul3A_422 : vector<2000x128xf32>
    %eq3A_424 = arith.constant 0 : i32
    %eq3A_425 = vector.broadcast %eq3A_424 : i32 to vector<2000x128xi32>
    %eq3A_426 = arith.cmpi eq, %iota3A, %eq3A_425 : vector<2000x128xi32>
    %jit3A_427 = arith.constant 0.000000e+00 : f64
    %convert_element_type3A_428 = arith.truncf %jit3A_427 : f64 to f32
    %broadcast_in_dim3A_429 = vector.broadcast %convert_element_type3A_428 : f32 to vector<2000x128xf32>
    %select_n3A_430 = arith.select %eq3A_426, %broadcast_in_dim3A_429, %add3A_423 : vector<2000x128xi1>, vector<2000x128xf32>
    %mul3A_431 = arith.mulf %select_n3A_430, %select_n3A_430 : vector<2000x128xf32>
    %reduce_sum3A_432 = arith.constant dense<0.000000e+00> : vector<2000xf32>
    %reduce_sum3A_433 = vector.multi_reduction <add>, %mul3A_431, %reduce_sum3A_432 [1] : vector<2000x128xf32> to vector<2000xf32>
    %broadcast_in_dim3A_434 = vector.shape_cast %reduce_sum3A_433 : vector<2000xf32> to vector<2000x1xf32>
    %sqrt3A_435 = math.sqrt %broadcast_in_dim3A_434 : vector<2000x1xf32>
    %max3A_436 = arith.constant 1.000000e-15 : f32
    %max3A_437 = vector.broadcast %max3A_436 : f32 to vector<2000x1xf32>
    %max3A_438 = arith.maximumf %sqrt3A_435, %max3A_437 : vector<2000x1xf32>
    %exp3A_439 = math.exp %max3A_438 : vector<2000x1xf32>
    %div3A_440 = arith.constant 1.000000e+00 : f32
    %div3A_441 = vector.broadcast %div3A_440 : f32 to vector<2000x1xf32>
    %div3A_442 = arith.divf %div3A_441, %exp3A_439 : vector<2000x1xf32>
    %sub3A_443 = arith.subf %exp3A_439, %div3A_442 : vector<2000x1xf32>
    %mul3A_444 = arith.constant 5.000000e-01 : f32
    %mul3A_445 = vector.broadcast %mul3A_444 : f32 to vector<2000x1xf32>
    %mul3A_446 = arith.mulf %mul3A_445, %sub3A_443 : vector<2000x1xf32>
    %mul3A_447 = vector.broadcast %mul3A_446 : vector<2000x1xf32> to vector<2000x128xf32>
    %mul3A_448 = arith.mulf %mul3A_447, %select_n3A_430 : vector<2000x128xf32>
    %div3A_449 = vector.broadcast %max3A_438 : vector<2000x1xf32> to vector<2000x128xf32>
    %div3A_450 = arith.divf %mul3A_448, %div3A_449 : vector<2000x128xf32>
    %mul3A_451 = arith.mulf %div3A_450, %div3A_450 : vector<2000x128xf32>
    %reduce_sum3A_452 = arith.constant dense<0.000000e+00> : vector<2000xf32>
    %reduce_sum3A_453 = vector.multi_reduction <add>, %mul3A_451, %reduce_sum3A_452 [1] : vector<2000x128xf32> to vector<2000xf32>
    %broadcast_in_dim3A_454 = vector.shape_cast %reduce_sum3A_453 : vector<2000xf32> to vector<2000x1xf32>
    %add3A_455 = arith.constant 1.000000e+00 : f32
    %add3A_456 = vector.broadcast %add3A_455 : f32 to vector<2000x1xf32>
    %add3A_457 = arith.addf %add3A_456, %broadcast_in_dim3A_454 : vector<2000x1xf32>
    %max3A_458 = arith.constant 1.000000e-07 : f32
    %max3A_459 = vector.broadcast %max3A_458 : f32 to vector<2000x1xf32>
    %max3A_460 = arith.maximumf %add3A_457, %max3A_459 : vector<2000x1xf32>
    %sqrt3A_461 = math.sqrt %max3A_460 : vector<2000x1xf32>
    %eq3A_462 = arith.constant 0 : i32
    %eq3A_463 = vector.broadcast %eq3A_462 : i32 to vector<2000x128xi32>
    %eq3A_464 = arith.cmpi eq, %iota3A, %eq3A_463 : vector<2000x128xi32>
    %broadcast_in_dim3A_465 = vector.shape_cast %sqrt3A_461 : vector<2000x1xf32> to vector<2000x1xf32>
    %broadcast_in_dim3A_466 = vector.broadcast %broadcast_in_dim3A_465 : vector<2000x1xf32> to vector<2000x128xf32>
    %select_n3A_467 = arith.select %eq3A_464, %broadcast_in_dim3A_466, %div3A_450 : vector<2000x128xi1>, vector<2000x128xf32>
    %get3A_468 = arith.constant 0 : index
    %get3A_469 = arith.constant 0 : index
    %get3A_470 = vector.load %arg5[%get3A_468, %get3A_469] : memref<128x128xf32, #tpu.memory_space<vmem>>, vector<128x128xf32>
    %dot_general3A = arith.constant dense<0.000000e+00> : vector<2000x128xf32>
    %dot_general3A_471 = tpu.matmul %select_n3A_467, %get3A_470, %dot_general3A {dimension_numbers = #tpu.dot_dimension_numbers<[1], [0], [0], [1], [0, 0, 1, 1], [], []>, transpose_lhs_hint = false} : vector<2000x128xf32>, vector<128x128xf32>, vector<2000x128xf32> -> vector<2000x128xf32>
    %get3A_472 = arith.constant 0 : index
    %get3A_473 = arith.constant 0 : index
    %get3A_474 = vector.load %arg6[%get3A_472, %get3A_473] : memref<1x128xf32, #tpu.memory_space<vmem>>, vector<1x128xf32>
    %add3A_475 = vector.broadcast %get3A_474 : vector<1x128xf32> to vector<2000x128xf32>
    %add3A_476 = arith.addf %dot_general3A_471, %add3A_475 : vector<2000x128xf32>
    %max3A_477 = arith.constant 0.000000e+00 : f32
    %max3A_478 = vector.broadcast %max3A_477 : f32 to vector<2000x128xf32>
    %max3A_479 = arith.maximumf %add3A_476, %max3A_478 : vector<2000x128xf32>
    %get3A_480 = arith.constant 0 : index
    %get3A_481 = arith.constant 0 : index
    %get3A_482 = vector.load %arg7[%get3A_480, %get3A_481] : memref<128x128xf32, #tpu.memory_space<vmem>>, vector<128x128xf32>
    %dot_general3A_483 = arith.constant dense<0.000000e+00> : vector<2000x128xf32>
    %dot_general3A_484 = tpu.matmul %max3A_479, %get3A_482, %dot_general3A_483 {dimension_numbers = #tpu.dot_dimension_numbers<[1], [0], [0], [1], [0, 0, 1, 1], [], []>, transpose_lhs_hint = false} : vector<2000x128xf32>, vector<128x128xf32>, vector<2000x128xf32> -> vector<2000x128xf32>
    %get3A_485 = arith.constant 0 : index
    %get3A_486 = arith.constant 0 : index
    %get3A_487 = vector.load %arg8[%get3A_485, %get3A_486] : memref<1x128xf32, #tpu.memory_space<vmem>>, vector<1x128xf32>
    %add3A_488 = vector.broadcast %get3A_487 : vector<1x128xf32> to vector<2000x128xf32>
    %add3A_489 = arith.addf %dot_general3A_484, %add3A_488 : vector<2000x128xf32>
    %swap3A = arith.constant 0 : index
    %swap3A_490 = arith.constant 0 : index
    %swap3A_491 = vector.load %arg9[%swap3A, %swap3A_490] : memref<2000x128xf32, #tpu.memory_space<vmem>>, vector<2000x128xf32>
    tpu.vector_store %arg9[%swap3A, %swap3A_490], %add3A_489 {strides = array<i32>} : memref<2000x128xf32, #tpu.memory_space<vmem>>, vector<2000x128xf32>,
    return
  }
  func.func @transform_0(%arg0: i32) -> i32 {
    %c0_i32 = arith.constant 0 : i32
    %c0_i32_0 = arith.constant 0 : i32
    return %c0_i32 : i32
  }
  func.func @transform_1(%arg0: i32) -> (i32, i32) {
    %c0_i32 = arith.constant 0 : i32
    %c0_i32_0 = arith.constant 0 : i32
    return %arg0, %c0_i32 : i32, i32
  }
  func.func @transform_2(%arg0: i32) -> (i32, i32) {
    %c0_i32 = arith.constant 0 : i32
    %c0_i32_0 = arith.constant 0 : i32
    return %arg0, %c0_i32 : i32, i32
  }
  func.func @transform_3(%arg0: i32) -> (i32, i32, i32) {
    %c0_i32 = arith.constant 0 : i32
    %c0_i32_0 = arith.constant 0 : i32
    %c0_i32_1 = arith.constant 0 : i32
    return %c0_i32, %arg0, %c0_i32_0 : i32, i32, i32
  }
  func.func @transform_4(%arg0: i32) -> (i32, i32) {
    %c0_i32 = arith.constant 0 : i32
    %c0_i32_0 = arith.constant 0 : i32
    %c0_i32_1 = arith.constant 0 : i32
    return %c0_i32, %c0_i32_0 : i32, i32
  }
  func.func @transform_5(%arg0: i32) -> (i32, i32) {
    %c0_i32 = arith.constant 0 : i32
    %c0_i32_0 = arith.constant 0 : i32
    %c0_i32_1 = arith.constant 0 : i32
    return %c0_i32, %c0_i32_0 : i32, i32
  }
  func.func @transform_6(%arg0: i32) -> (i32, i32) {
    %c0_i32 = arith.constant 0 : i32
    %c0_i32_0 = arith.constant 0 : i32
    %c0_i32_1 = arith.constant 0 : i32
    return %c0_i32, %c0_i32_0 : i32, i32
  }
  func.func @transform_7(%arg0: i32) -> (i32, i32) {
    %c0_i32 = arith.constant 0 : i32
    %c0_i32_0 = arith.constant 0 : i32
    %c0_i32_1 = arith.constant 0 : i32
    return %c0_i32, %c0_i32_0 : i32, i32
  }
  func.func @transform_8(%arg0: i32) -> (i32, i32) {
    %c0_i32 = arith.constant 0 : i32
    %c0_i32_0 = arith.constant 0 : i32
    return %arg0, %c0_i32 : i32, i32
  }
}

</mosaic_0001>

<sc_bundles>
// kernel: kernel.5.cloned.1.call-start
scs
__scs_entry_jumppad:
0x0: {  	(pc) =	sbr.rel $0x88, $3  }
0x1: {  	(tag) =	ssettag $0x0;
	lr =	simm.s32 $0x1  }
0x2: {  	[smem:$0x3F9A] =	sst lr;
	_ =	strace $0xD0000000  }
0x3: {  	_ = 	snop  }
0x4: {  	_ = 	snop  }
0x5: {  	_ = 	snop  }
0x6: {  	_ = 	snop  }
0x7: {  	_ = 	snop  }
__scs_overlays_trampoline_lowered:
0x8: {  	[smem:$0x3FA9] =	sst s0  }
0x9: {  	[smem:$0x3FAA] =	sst s1  }
0xa: {  	[smem:$0x3FAB] =	sst s2  }
0xb: {  	[smem:$0x3FAC] =	sst s3  }
0xc: {  	[smem:$0x3FAD] =	sst s4  }
0xd: {  	[smem:$0x3FAE] =	sst s5  }
0xe: {  	[smem:$0x3FAF] =	sst s6  }
0xf: {  	[smem:$0x3FB0] =	sst s7  }
0x10: {  	[smem:$0x3FB1] =	sst s8  }
0x11: {  	[smem:$0x3FB2] =	sst s9;
	s0 =	simm.s32 @!p0 $0x0  }
0x12: {  	s1 =	sld [smem:$0x3F98];
	s0 =	simm.s32 @p0 $0x1  }
0x13: {  	[smem:$0x3FB3] =	sst s0;
	s0 =	simm.s32 @!p1 $0x0  }
0x14: {  	s2 =	sld [smem:$0x3F97];
	s0 =	simm.s32 @p1 $0x1  }
0x15: {  	[smem:$0x3FB4] =	sst s0;
	s0 =	simm.s32 @!p2 $0x0  }
0x16: {  	s3 =	sld [smem:$0x3FDB];
	s0 =	simm.s32 @p2 $0x1  }
0x17: {  	s4 =	simm.s32 $0x1BF5;
	[smem:$0x3FB6] =	sst s0  }
0x18: {  	s0 =	sld [smem:$0x3F99];
	_ =	swait.ge [sflag:s4], $0x0  }
0x19: {  	s7 =	sld [smem:$0x3F9A]  }
0x1a: {  	s8 =	sadd.s32 $0xFFFFE003, lr  }
0x1b: {  	s9 =	sadd.s32 $0xFFFFFEF7, lr;
	s5 =	simm.s32 $0xFFFFFFFF;
	p2 =	slt.u32 s8, $0xFFFFF086  }
0x1c: {  	p1 =	slt.u32 s9, $0xF7A;
	s5 =	simm.s32 @!p2 $0x0  }
0x1d: {  	s5 =	simm.s32 @p1 $0x1;
	p0 =	seq.s32 s7, s2  }
0x1e: {  	s7 =	smul.u32 @!p0 $0xF7A, s2;
	p2 =	seq.s32 @!p0 s5, $0x0  }
0x1f: {  	s9 =	smul.u32 $0xF7A, s1;
	s8 =	simm.s32 @!p0 $0x1BF5;
	p2 =	por !p2, p0  }
0x20: {  	[sflag:s8] =	ssyncset.s32 @!p0 $0xFFFFF086;
	s6 =	sadd.s32 @!p0 s3, s7;
	s7 =	simm.s32 @!p0 $0x108  }
0x21: {  	s3 =	sadd.s32 s3, s9;
	s6 =	sadd.s32 @!p0 $0x88, s6;
	s7 =	simm.s32 @p2 $0x1082  }
0x22: {  	[simem:s7], [sflag:s8] =	dma.local @!p0 [hbm:s6], $0xF7A  }
0x23: {  	s9 =	sor.u32 $0xD0000000, s2;
	s6 =	simm.s32 $0x108;
	_ =	swait.ge @!p0 [sflag:s8], $0x0  }
0x24: {  	s3 =	sadd.s32 $0x88, s3;
	s6 =	simm.s32 @!p1 $0x1082;
	[sflag:s4] =	ssyncset.s32 $0xFFFFF086  }
0x25: {  	[simem:s6], [sflag:s4] =	dma.local [hbm:s3], $0xF7A  }
0x26: {  	[smem:$0x3F9A] =	sst s1;
	(tag) =	ssettag s2;
	_ =	strace s9  }
0x27: {  	s1 =	sld [smem:$0x3FAA]  }
0x28: {  	s2 =	sld [smem:$0x3FAB]  }
0x29: {  	s4 =	sld [smem:$0x3FAD]  }
0x2a: {  	p0 =	seq.s32 s5, $0x0;
	s5 =	sld [smem:$0x3FAE]  }
0x2b: {  	s6 =	sld [smem:$0x3FAF]  }
0x2c: {  	s7 =	sld [smem:$0x3FB0]  }
0x2d: {  	s3 =	simm.s32 $0x108;
	s8 =	sld [smem:$0x3FB1]  }
0x2e: {  	s3 =	simm.s32 @!p0 $0x1082;
	s9 =	sld [smem:$0x3FB2]  }
0x2f: {  	lr =	sadd.s32 s0, s3;
	s0 =	sld [smem:$0x3FA9]  }
0x30: {  	s3 =	sld [smem:$0x3FAC]  }
0x31: {  	[smem:$0x3FB5] =	sst s10  }
0x32: {  	s10 =	sld [smem:$0x3FB3];
	_ =	sdelay $0x3  }
0x33: {  	p0 =	seq.s32 s10, $0x1;
	s10 =	sld [smem:$0x3FB5];
	_ =	sdelay $0x3  }
0x34: {  	[smem:$0x3FB5] =	sst s10  }
0x35: {  	s10 =	sld [smem:$0x3FB4];
	_ =	sdelay $0x3  }
0x36: {  	p1 =	seq.s32 s10, $0x1;
	s10 =	sld [smem:$0x3FB5];
	_ =	sdelay $0x3  }
0x37: {  	[smem:$0x3FB5] =	sst s10  }
0x38: {  	s10 =	sld [smem:$0x3FB6]  }
0x39: {  	_ = 	snop;
	(pc) =	sbr.ind lr, $3  }
0x3a: {  	_ = 	snop  }
0x3b: {  	_ = 	snop  }
0x3c: {  	p2 =	seq.s32 s10, $0x1;
	s10 =	sld [smem:$0x3FB5]  }
0x3d: {  	_ =	shalt  }
0x3e: {  	_ =	shalt  }
0x3f: {  	_ =	shalt  }
0x40: {  	_ =	shalt  }
0x41: {  	_ =	shalt  }
0x42: {  	_ =	shalt  }
0x43: {  	_ =	shalt  }
0x44: {  	_ =	shalt  }
0x45: {  	_ =	shalt  }
0x46: {  	_ =	shalt  }
0x47: {  	_ =	shalt  }
0x48: {  	_ =	shalt  }
0x49: {  	_ =	shalt  }
0x4a: {  	_ =	shalt  }
0x4b: {  	_ =	shalt  }
0x4c: {  	_ =	shalt  }
0x4d: {  	_ =	shalt  }
0x4e: {  	_ =	shalt  }
0x4f: {  	_ =	shalt  }
0x50: {  	_ =	shalt  }
0x51: {  	_ =	shalt  }
0x52: {  	_ =	shalt  }
0x53: {  	_ =	shalt  }
0x54: {  	_ =	shalt  }
0x55: {  	_ =	shalt  }
0x56: {  	_ =	shalt  }
0x57: {  	_ =	shalt  }
0x58: {  	_ =	shalt  }
0x59: {  	_ =	shalt  }
0x5a: {  	_ =	shalt  }
0x5b: {  	_ =	shalt  }
0x5c: {  	_ =	shalt  }
0x5d: {  	_ =	shalt  }
0x5e: {  	_ =	shalt  }
0x5f: {  	_ =	shalt  }
0x60: {  	_ =	shalt  }
0x61: {  	_ =	shalt  }
0x62: {  	_ =	shalt  }
0x63: {  	_ =	shalt  }
0x64: {  	_ =	shalt  }
0x65: {  	_ =	shalt  }
0x66: {  	_ =	shalt  }
0x67: {  	_ =	shalt  }
0x68: {  	_ =	shalt  }
0x69: {  	_ =	shalt  }
0x6a: {  	_ =	shalt  }
0x6b: {  	_ =	shalt  }
0x6c: {  	_ =	shalt  }
0x6d: {  	_ =	shalt  }
0x6e: {  	_ =	shalt  }
0x6f: {  	_ =	shalt  }
0x70: {  	_ =	shalt  }
0x71: {  	_ =	shalt  }
0x72: {  	_ =	shalt  }
0x73: {  	_ =	shalt  }
0x74: {  	_ =	shalt  }
0x75: {  	_ =	shalt  }
0x76: {  	_ =	shalt  }
0x77: {  	_ =	shalt  }
0x78: {  	_ =	shalt  }
0x79: {  	_ =	shalt  }
0x7a: {  	_ =	shalt  }
0x7b: {  	_ =	shalt  }
0x7c: {  	_ =	shalt  }
0x7d: {  	_ =	shalt  }
0x7e: {  	_ =	shalt  }
0x7f: {  	_ =	shalt  }
0x80: {  	_ =	shalt  }
0x81: {  	_ =	shalt  }
0x82: {  	_ =	shalt  }
0x83: {  	_ =	shalt  }
0x84: {  	_ =	shalt  }
0x85: {  	_ =	shalt  }
0x86: {  	_ =	shalt  }
0x87: {  	_ =	shalt  }
.Lfunc_end0:
.L_simem_size_0:
called_computation_lowered:
.L_overlay_start_0:
0x88: {  	s2 =	sld [smem:$0x3FD9]  }
0x89: {  	s3 =	sld [smem:$0x3FFE];
	_ =	sdelay $0x1  }
0x8a: {  	s1 =	srdreg.scid  }
0x8b: {  	s0 =	sand.u32 $0x1, s1  }
0x8c: {  	s17 =	sshll.u32 s0, $0xA;
	s2 =	sadd.s32 s3, s2  }
0x8d: {  	s2 =	sadd.s32 s2, s17  }
0x8e: {  	[smem:$0x3FC1] =	sst s2  }
0x8f: {  	_ = 	snop  }
0x90: {  	s2 =	sld [smem:$0x3FD0];
	(tm) =	ssettm $0x1  }
0x91: {  	s18 =	sld [smem:$0x3FFB];
	_ =	sdelay $0x3  }
0x92: {  	_ =	strace s18  }
0x93: {  	s3 =	sld [smem:$0x3FFC];
	_ =	sdelay $0x3  }
0x94: {  	_ =	strace s3  }
0x95: {  	s3 =	sld [smem:$0x3FFD];
	_ =	sdelay $0x3  }
0x96: {  	_ =	strace s3  }
0x97: {  	_ =	strace $0x8FFFFFFF  }
0x98: {  	s19 =	sld [smem:$0x3FDB];
	_ =	sdelay $0x1  }
0x99: {  	s4 =	simm.s32 $_scs_section_size  }
0x9a: {  	s5 =	simm.s32 $_size__tile_overlayer_lowered;
	s6 =	simm.s32 $_tile_overlayer_lowered  }
0x9b: {  	s22 =	simm.s32 $0x1BFF;
	s21 =	sshll.u32 s6, $0x1;
	s3 =	sadd.s32 s4, s19  }
0x9c: {  	s7 =	simm.s32 $0x0;
	s20 =	sshll.u32 s5, $0x1;
	s5 =	sadd.s32 s21, s3  }
0x9d: {  	[timem:s7], [sflag:s22] =	dma.local [hbm:s5], s20  }
0x9e: {  	_ =	swait.ge [sflag:s22], s20  }
0x9f: {  	s4 =	ssub.s32 $0x0, s20;
	[sflag:s22] =	ssyncset.done $0x0  }
0xa0: {  	[sflag:s22] =	ssyncadd.s32 s4;
	_ =	sdelay $0x1  }
0xa1: {  	s23 =	simm.s32 $0x1B8B  }
0xa2: {  	_ =	swait.ge [sflag:s23], $0x1  }
0xa3: {  	[sflag:s23] =	ssyncset.done $0x0  }
0xa4: {  	s25 =	simm.s32 $0x1B8E;
	s24 =	sld [smem:$0x3FFE];
	[sflag:s23] =	ssyncadd.s32 $0xFFFFFFFF  }
0xa5: {  	s26 =	simm.s32 $execute0_lowered;
	[smem:$0x3FD2] =	sst s25  }
0xa6: {  	s5 =	sshll.u32 s26, $0x1;
	_ =	strace $0x80000046;
	[dreg:$0x1] =	wrdreg $0xFFFFFFFF  }
0xa7: {  	s28 =	simm.s32 $_size_execute0_lowered;
	s3 =	sadd.s32 s3, s5;
	[dreg:$0x0] =	wrdreg $0x0  }
0xa8: {  	s5 =	sshll.u32 s28, $0x1;
	[dreg:$0x2] =	wrdreg s3  }
0xa9: {  	[dreg:$0x3] =	wrdreg s5  }
0xaa: {  	[dreg:$0x4] =	wrdreg $0xC0  }
0xab: {  	_ =	task [dreg:s7], $0x5FFFF  }
0xac: {  	[dreg:$0x1] =	wrdreg $0xFFFFFFFF  }
0xad: {  	[dreg:$0x0] =	wrdreg $0x60  }
0xae: {  	[dreg:$0x2] =	wrdreg s2  }
0xaf: {  	[dreg:$0x3] =	wrdreg s24  }
0xb0: {  	[dreg:$0x4] =	wrdreg $0x88000  }
0xb1: {  	[dreg:$0x5] =	wrdreg $0x9  }
0xb2: {  	_ =	task.clear_ibuf [dreg:s7], $0x6FFFF;
	_ =	strace $0x90000046  }
0xb3: {  	s29 =	simm.s32 $0x9;
	_ =	strace $0x80000048  }
0xb4: {  	_ =	swait.ge [sflag:s29], $0x1  }
0xb5: {  	[sflag:s29] =	ssyncadd.s32 $0xFFFFFFFF  }
0xb6: {  	_ =	strace $0x90000048  }
0xb7: {  	_ =	sfence  }
0xb8: {  	s30 =	sld [smem:$0x0];
	_ =	sdelay $0x2  }
0xb9: {  	s31 =	sshll.u32 s1, $0xD;
	s1 =	sshrl.u32 s1, $0x2  }
0xba: {  	s3 =	sand.u32 $0x4000, s31;
	s1 =	sadd.s32 s1, s30  }
0xbb: {  	s0 =	sor.u32 s3, s0;
	s1 =	sshll.u32 s1, $0x11  }
0xbc: {  	s0 =	sor.u32 s1, s0  }
0xbd: {  	s0 =	sadd.s32 $0x8F2B, s0  }
0xbe: {  	[sflag:s0] =	ssyncadd.remote.s32 $0x1  }
0xbf: {  	_ =	sfence.sel $0xFFFF  }
0xc0: {  	[dreg:$0x0] =	wrdreg $0xFFFFFFFF;
	(pc) =	sbr.abs _section_cstart, $3  }
0xc1: {  	[dreg:$0x1] =	wrdreg $0xFFFFFFFF  }
0xc2: {  	_ =	task.clear_ibuf [dreg:s7], $0x2FFFF;
	_ =	strace $0x9FFFFFFF  }
0xc3: {  	(tm) =	ssettm $0x7FFFFFFF  }
tec
execute0_lowered:
.L_overlay_start_1:
0x0: {  	(tag) =	ssettag $0x1  }
0x1: {  	s1 =	rddreg [dreg:$0x0]  }
0x2: {  	s0 =	srdreg.scid;
	s2 =	rddreg [dreg:$0x1]  }
0x3: {  	s8 =	stileid.u32;
	s3 =	rddreg [dreg:$0x2]  }
0x4: {  	s4 =	simm.s32 $0x0;
	s12 =	simm.s32 $0x3;
	s13 =	simm.s32 $0x400  }
0x5: {  	s14 =	simm.s32 $0x80;
	s15 =	simm.s32 $0x800;
	s16 =	simm.s32 $0x4800  }
0x6: {  	s17 =	simm.s32 $0x1;
	s18 =	simm.s32 $0x100;
	s19 =	simm.s32 $0x2  }
0x7: {  	s20 =	simm.s32 $0x480;
	s21 =	simm.s32 $0x180;
	s22 =	simm.s32 $0x500  }
0x8: {  	s28 =	simm.s32 $0x300;
	s29 =	simm.s32 $0x680;
	s6 =	smul.u32 $0x2800, s8  }
0x9: {  	s30 =	simm.s32 $0x380;
	s31 =	simm.s32 $0x700;
	s23 =	smul.u32 $0x14000, s8  }
0xa: {  	s0 =	sand.u32 $0x1, s0;
	[smem:$0x7FF] =	sst s4;
	s24 =	smul.u32 $0x50000, s8  }
0xb: {  	s9 =	sadd.s32 $0x15400, s2;
	s26 =	sshll.u32 s8, $0x6;
	s5 =	smul.u32 $0x28000, s0  }
0xc: {  	s7 =	smul.u32 $0x140000, s0;
	_ =	strace $0x80000047;
	s0 =	ssub.s32 $0x2, s0  }
0xd: {  	[dreg:$0x4] =	wrdreg s9;
	s25 =	sshrl.u32 s0, $0x1;
	s5 =	sadd.s32 s6, s5  }
0xe: {  	s6 =	sadd.s32 s23, s7;
	s7 =	sshrl.u32 s24, $0x2;
	s0 =	ssub.s32 s0, s25  }
0xf: {  	s23 =	simm.s32 $0x200;
	s24 =	simm.s32 $0x580;
	s25 =	simm.s32 $0x280  }
0x10: {  	s5 =	sshrl.u32 s5, $0x3;
	s6 =	sshrl.u32 s6, $0x3;
	s7 =	sadd.s32 s7, s3  }
0x11: {  	s0 =	smax.u32 s0, $0x1;
	s5 =	sadd.s32 s5, s2;
	s2 =	sadd.s32 s6, s2  }
0x12: {  	s6 =	sor.u32 $0x1C03, s26;
	[dreg:$0x7] =	wrdreg s0;
	s7 =	sshrl.u32 s7, $0x3  }
0x13: {  	s26 =	simm.s32 $0x600;
	s0 =	simm.s32 $0x0;
	[dreg:$0x5] =	wrdreg s6  }
0x14: {  	s2 =	sadd.s32 $0x17C00, s2;
	s9 =	sadd.s32 $0xB400, s5;
	[dreg:$0x8] =	wrdreg s7  }
0x15: {  	s10 =	sadd.s32 $0x1400, s5;
	[dreg:$0x6] =	wrdreg s2;
	s2 =	simm.s32 $0x780  }
.LBB2_1:
0x16: {  	s5 =	rddreg [dreg:$0x4]  }
0x17: {  	[spmem:s7], [sflag:s6] =	dma.local [hbm:s5], $0x2800  }
0x18: {  	_ =	swait.ge [sflag:s12], $0x2800  }
0x19: {  	[sflag:s12] =	ssyncset.done $0x0  }
0x1a: {  	[sflag:s12] =	ssyncadd.s32 $0xFFFFD800  }
0x1b: {  	s8 =	sadd.s32 $0x0, s10;
	[bflag:$0x0] =	sbarrier.arrive $0xFFFF  }
0x1c: {  	[tilespmem:s4], [sflag:$0x3] =	stream.linear.gather [hbm4b:s8+s4], $0x400, $0x38;
	[tilespmem:$0x1C800] =	vst v63  }
0x1d: {  	_ =	swait.ge [sflag:s12], $0x400  }
0x1e: {  	[sflag:s12] =	ssyncset.done $0x0  }
0x1f: {  	s11 =	sadd.s32 $0x0, s9;
	[sflag:s12] =	ssyncadd.s32 $0xFFFFFC00  }
0x20: {  	[tilespmem:s13], [sflag:$0x3] =	stream.linear.gather [hbm4b:s11+s4], $0x400, $0x38;
	[tilespmem:$0x1C800] =	vst v63  }
0x21: {  	_ =	swait.ge [sflag:s12], $0x400  }
0x22: {  	[sflag:s12] =	ssyncset.done $0x0  }
0x23: {  	[sflag:s12] =	ssyncadd.s32 $0xFFFFFC00  }
0x24: {  	[tilespmem:s15], [sflag:$0x1] =	stream.indirect.gather [hbm4b:s1+s14], $0x80, s4, s14, $0xb8;
	[tilespmem:$0x1C800] =	vst v63  }
0x25: {  	_ = 	snop  }
0x26: {  	[tilespmem:s16], [sflag:$0x2] =	stream.indirect.gather [hbm4b:s1+s14], $0x80, s14, s14, $0xb8;
	[tilespmem:$0x1C800] =	vst v63  }
0x27: {  	_ =	swait.ge [sflag:s17], $0x4000  }
0x28: {  	[sflag:s17] =	ssyncset.done $0x0  }
0x29: {  	[sflag:s17] =	ssyncadd.s32 $0xFFFFC000  }
0x2a: {  	[spmem:s3] =	stream.indirect.scatter.add.f32 [tilespmem:s15], [sflag:$0x3], $0x80, s13, s14, $0xb8;
	[tilespmem:$0x1C800] =	vst v63  }
0x2b: {  	_ =	swait.ge [sflag:s12], $0x4000  }
0x2c: {  	[sflag:s12] =	ssyncset.done $0x0  }
0x2d: {  	[sflag:s12] =	ssyncadd.s32 $0xFFFFC000  }
0x2e: {  	[tilespmem:s15], [sflag:$0x1] =	stream.indirect.gather [hbm4b:s1+s14], $0x80, s18, s14, $0xb8;
	[tilespmem:$0x1C800] =	vst v63  }
0x2f: {  	_ =	swait.ge [sflag:s19], $0x4000  }
0x30: {  	[sflag:s19] =	ssyncset.done $0x0  }
0x31: {  	[sflag:s19] =	ssyncadd.s32 $0xFFFFC000  }
0x32: {  	[spmem:s3] =	stream.indirect.scatter.add.f32 [tilespmem:s16], [sflag:$0x3], $0x80, s20, s14, $0xb8;
	[tilespmem:$0x1C800] =	vst v63  }
0x33: {  	_ =	swait.ge [sflag:s12], $0x4000  }
0x34: {  	[sflag:s12] =	ssyncset.done $0x0  }
0x35: {  	[sflag:s12] =	ssyncadd.s32 $0xFFFFC000  }
0x36: {  	[tilespmem:s16], [sflag:$0x2] =	stream.indirect.gather [hbm4b:s1+s14], $0x80, s21, s14, $0xb8;
	[tilespmem:$0x1C800] =	vst v63  }
0x37: {  	_ =	swait.ge [sflag:s17], $0x4000  }
0x38: {  	[sflag:s17] =	ssyncset.done $0x0  }
0x39: {  	[sflag:s17] =	ssyncadd.s32 $0xFFFFC000  }
0x3a: {  	[spmem:s3] =	stream.indirect.scatter.add.f32 [tilespmem:s15], [sflag:$0x3], $0x80, s22, s14, $0xb8;
	[tilespmem:$0x1C800] =	vst v63  }
0x3b: {  	_ =	swait.ge [sflag:s12], $0x4000  }
0x3c: {  	[sflag:s12] =	ssyncset.done $0x0  }
0x3d: {  	[sflag:s12] =	ssyncadd.s32 $0xFFFFC000  }
0x3e: {  	[tilespmem:s15], [sflag:$0x1] =	stream.indirect.gather [hbm4b:s1+s14], $0x80, s23, s14, $0xb8;
	[tilespmem:$0x1C800] =	vst v63  }
0x3f: {  	_ =	swait.ge [sflag:s19], $0x4000  }
0x40: {  	[sflag:s19] =	ssyncset.done $0x0  }
0x41: {  	[sflag:s19] =	ssyncadd.s32 $0xFFFFC000  }
0x42: {  	[spmem:s3] =	stream.indirect.scatter.add.f32 [tilespmem:s16], [sflag:$0x3], $0x80, s24, s14, $0xb8;
	[tilespmem:$0x1C800] =	vst v63  }
0x43: {  	_ =	swait.ge [sflag:s12], $0x4000  }
0x44: {  	[sflag:s12] =	ssyncset.done $0x0  }
0x45: {  	[sflag:s12] =	ssyncadd.s32 $0xFFFFC000  }
0x46: {  	[tilespmem:s16], [sflag:$0x2] =	stream.indirect.gather [hbm4b:s1+s14], $0x80, s25, s14, $0xb8;
	[tilespmem:$0x1C800] =	vst v63  }
0x47: {  	_ =	swait.ge [sflag:s17], $0x4000  }
0x48: {  	[sflag:s17] =	ssyncset.done $0x0  }
0x49: {  	[sflag:s17] =	ssyncadd.s32 $0xFFFFC000  }
0x4a: {  	[spmem:s3] =	stream.indirect.scatter.add.f32 [tilespmem:s15], [sflag:$0x3], $0x80, s26, s14, $0xb8;
	[tilespmem:$0x1C800] =	vst v63  }
0x4b: {  	_ =	swait.ge [sflag:s12], $0x4000  }
0x4c: {  	[sflag:s12] =	ssyncset.done $0x0  }
0x4d: {  	[sflag:s12] =	ssyncadd.s32 $0xFFFFC000  }
0x4e: {  	[tilespmem:s15], [sflag:$0x1] =	stream.indirect.gather [hbm4b:s1+s14], $0x80, s28, s14, $0xb8;
	[tilespmem:$0x1C800] =	vst v63  }
0x4f: {  	_ =	swait.ge [sflag:s19], $0x4000  }
0x50: {  	[sflag:s19] =	ssyncset.done $0x0  }
0x51: {  	[sflag:s19] =	ssyncadd.s32 $0xFFFFC000  }
0x52: {  	[spmem:s3] =	stream.indirect.scatter.add.f32 [tilespmem:s16], [sflag:$0x3], $0x80, s29, s14, $0xb8;
	[tilespmem:$0x1C800] =	vst v63  }
0x53: {  	_ =	swait.ge [sflag:s12], $0x4000  }
0x54: {  	[sflag:s12] =	ssyncset.done $0x0  }
0x55: {  	[sflag:s12] =	ssyncadd.s32 $0xFFFFC000  }
0x56: {  	[tilespmem:s16], [sflag:$0x2] =	stream.indirect.gather [hbm4b:s1+s14], $0x80, s30, s14, $0xb8;
	[tilespmem:$0x1C800] =	vst v63  }
0x57: {  	_ =	swait.ge [sflag:s17], $0x4000  }
0x58: {  	[sflag:s17] =	ssyncset.done $0x0  }
0x59: {  	[sflag:s17] =	ssyncadd.s32 $0xFFFFC000  }
0x5a: {  	[spmem:s3] =	stream.indirect.scatter.add.f32 [tilespmem:s15], [sflag:$0x3], $0x80, s31, s14, $0xb8;
	[tilespmem:$0x1C800] =	vst v63  }
0x5b: {  	_ =	swait.ge [sflag:s12], $0x4000  }
0x5c: {  	[sflag:s12] =	ssyncset.done $0x0  }
0x5d: {  	[sflag:s12] =	ssyncadd.s32 $0xFFFFC000  }
0x5e: {  	_ =	swait.ge [sflag:s19], $0x4000  }
0x5f: {  	[sflag:s19] =	ssyncset.done $0x0  }
0x60: {  	[sflag:s19] =	ssyncadd.s32 $0xFFFFC000  }
0x61: {  	[spmem:s3] =	stream.indirect.scatter.add.f32 [tilespmem:s16], [sflag:$0x3], $0x80, s2, s14, $0xb8;
	[tilespmem:$0x1C800] =	vst v63  }
0x62: {  	_ =	swait.ge [sflag:s12], $0x4000  }
0x63: {  	s5 =	simm.s32 $0x80;
	s7 =	simm.s32 $0x100;
	[sflag:s12] =	ssyncset.done $0x0  }
.LBB2_2:
0x64: {  	s6 =	sadd.s32 s5, s10  }
0x65: {  	[sflag:s12] =	ssyncadd.s32 $0xFFFFC000;
	s11 =	smov.u32 s7;
	s8 =	sadd.s32 $0x80, s7  }
0x66: {  	[tilespmem:s4], [sflag:$0x3] =	stream.linear.gather [hbm4b:s6+s4], $0x400, $0x38;
	[tilespmem:$0x1C800] =	vst v63  }
0x67: {  	p0 =	sne.s32 s7, $0x480;
	_ =	swait.ge [sflag:s12], $0x400  }
0x68: {  	[sflag:s12] =	ssyncset.done $0x0  }
0x69: {  	s6 =	sadd.s32 s5, s9;
	s5 =	smov.u32 s11;
	[sflag:s12] =	ssyncadd.s32 $0xFFFFFC00  }
0x6a: {  	[tilespmem:s13], [sflag:$0x3] =	stream.linear.gather [hbm4b:s6+s4], $0x400, $0x38;
	[tilespmem:$0x1C800] =	vst v63  }
0x6b: {  	_ =	swait.ge [sflag:s12], $0x400  }
0x6c: {  	[sflag:s12] =	ssyncset.done $0x0  }
0x6d: {  	[sflag:s12] =	ssyncadd.s32 $0xFFFFFC00  }
0x6e: {  	[tilespmem:s15], [sflag:$0x1] =	stream.indirect.gather [hbm4b:s1+s14], $0x80, s4, s14, $0xb8;
	[tilespmem:$0x1C800] =	vst v63  }
0x6f: {  	_ = 	snop  }
0x70: {  	[tilespmem:s16], [sflag:$0x2] =	stream.indirect.gather [hbm4b:s1+s14], $0x80, s14, s14, $0xb8;
	[tilespmem:$0x1C800] =	vst v63  }
0x71: {  	_ =	swait.ge [sflag:s17], $0x4000  }
0x72: {  	[sflag:s17] =	ssyncset.done $0x0  }
0x73: {  	[sflag:s17] =	ssyncadd.s32 $0xFFFFC000  }
0x74: {  	[spmem:s3] =	stream.indirect.scatter.add.f32 [tilespmem:s15], [sflag:$0x3], $0x80, s13, s14, $0xb8;
	[tilespmem:$0x1C800] =	vst v63  }
0x75: {  	_ =	swait.ge [sflag:s12], $0x4000  }
0x76: {  	[sflag:s12] =	ssyncset.done $0x0  }
0x77: {  	[sflag:s12] =	ssyncadd.s32 $0xFFFFC000  }
0x78: {  	[tilespmem:s15], [sflag:$0x1] =	stream.indirect.gather [hbm4b:s1+s14], $0x80, s18, s14, $0xb8;
	[tilespmem:$0x1C800] =	vst v63  }
0x79: {  	_ =	swait.ge [sflag:s19], $0x4000  }
0x7a: {  	[sflag:s19] =	ssyncset.done $0x0  }
0x7b: {  	[sflag:s19] =	ssyncadd.s32 $0xFFFFC000  }
0x7c: {  	[spmem:s3] =	stream.indirect.scatter.add.f32 [tilespmem:s16], [sflag:$0x3], $0x80, s20, s14, $0xb8;
	[tilespmem:$0x1C800] =	vst v63  }
0x7d: {  	_ =	swait.ge [sflag:s12], $0x4000  }
0x7e: {  	[sflag:s12] =	ssyncset.done $0x0  }
0x7f: {  	[sflag:s12] =	ssyncadd.s32 $0xFFFFC000  }
0x80: {  	[tilespmem:s16], [sflag:$0x2] =	stream.indirect.gather [hbm4b:s1+s14], $0x80, s21, s14, $0xb8;
	[tilespmem:$0x1C800] =	vst v63  }
0x81: {  	_ =	swait.ge [sflag:s17], $0x4000  }
0x82: {  	[sflag:s17] =	ssyncset.done $0x0  }
0x83: {  	[sflag:s17] =	ssyncadd.s32 $0xFFFFC000  }
0x84: {  	[spmem:s3] =	stream.indirect.scatter.add.f32 [tilespmem:s15], [sflag:$0x3], $0x80, s22, s14, $0xb8;
	[tilespmem:$0x1C800] =	vst v63  }
0x85: {  	_ =	swait.ge [sflag:s12], $0x4000  }
0x86: {  	[sflag:s12] =	ssyncset.done $0x0  }
0x87: {  	[sflag:s12] =	ssyncadd.s32 $0xFFFFC000  }
0x88: {  	[tilespmem:s15], [sflag:$0x1] =	stream.indirect.gather [hbm4b:s1+s14], $0x80, s23, s14, $0xb8;
	[tilespmem:$0x1C800] =	vst v63  }
0x89: {  	_ =	swait.ge [sflag:s19], $0x4000  }
0x8a: {  	[sflag:s19] =	ssyncset.done $0x0  }
0x8b: {  	[sflag:s19] =	ssyncadd.s32 $0xFFFFC000  }
0x8c: {  	[spmem:s3] =	stream.indirect.scatter.add.f32 [tilespmem:s16], [sflag:$0x3], $0x80, s24, s14, $0xb8;
	[tilespmem:$0x1C800] =	vst v63  }
0x8d: {  	_ =	swait.ge [sflag:s12], $0x4000  }
0x8e: {  	[sflag:s12] =	ssyncset.done $0x0  }
0x8f: {  	[sflag:s12] =	ssyncadd.s32 $0xFFFFC000  }
0x90: {  	[tilespmem:s16], [sflag:$0x2] =	stream.indirect.gather [hbm4b:s1+s14], $0x80, s25, s14, $0xb8;
	[tilespmem:$0x1C800] =	vst v63  }
0x91: {  	_ =	swait.ge [sflag:s17], $0x4000  }
0x92: {  	[sflag:s17] =	ssyncset.done $0x0  }
0x93: {  	[sflag:s17] =	ssyncadd.s32 $0xFFFFC000  }
0x94: {  	[spmem:s3] =	stream.indirect.scatter.add.f32 [tilespmem:s15], [sflag:$0x3], $0x80, s26, s14, $0xb8;
	[tilespmem:$0x1C800] =	vst v63  }
0x95: {  	_ =	swait.ge [sflag:s12], $0x4000  }
0x96: {  	[sflag:s12] =	ssyncset.done $0x0  }
0x97: {  	[sflag:s12] =	ssyncadd.s32 $0xFFFFC000  }
0x98: {  	[tilespmem:s15], [sflag:$0x1] =	stream.indirect.gather [hbm4b:s1+s14], $0x80, s28, s14, $0xb8;
	[tilespmem:$0x1C800] =	vst v63  }
0x99: {  	_ =	swait.ge [sflag:s19], $0x4000  }
0x9a: {  	[sflag:s19] =	ssyncset.done $0x0  }
0x9b: {  	[sflag:s19] =	ssyncadd.s32 $0xFFFFC000  }
0x9c: {  	[spmem:s3] =	stream.indirect.scatter.add.f32 [tilespmem:s16], [sflag:$0x3], $0x80, s29, s14, $0xb8;
	[tilespmem:$0x1C800] =	vst v63  }
0x9d: {  	_ =	swait.ge [sflag:s12], $0x4000  }
0x9e: {  	[sflag:s12] =	ssyncset.done $0x0  }
0x9f: {  	[sflag:s12] =	ssyncadd.s32 $0xFFFFC000  }
0xa0: {  	[tilespmem:s16], [sflag:$0x2] =	stream.indirect.gather [hbm4b:s1+s14], $0x80, s30, s14, $0xb8;
	[tilespmem:$0x1C800] =	vst v63  }
0xa1: {  	_ =	swait.ge [sflag:s17], $0x4000  }
0xa2: {  	[sflag:s17] =	ssyncset.done $0x0  }
0xa3: {  	[sflag:s17] =	ssyncadd.s32 $0xFFFFC000  }
0xa4: {  	[spmem:s3] =	stream.indirect.scatter.add.f32 [tilespmem:s15], [sflag:$0x3], $0x80, s31, s14, $0xb8;
	[tilespmem:$0x1C800] =	vst v63  }
0xa5: {  	_ =	swait.ge [sflag:s12], $0x4000  }
0xa6: {  	[sflag:s12] =	ssyncset.done $0x0  }
0xa7: {  	[sflag:s12] =	ssyncadd.s32 $0xFFFFC000  }
0xa8: {  	_ =	swait.ge [sflag:s19], $0x4000  }
.Ltmp0:
0xa9: {  	[sflag:s19] =	ssyncset.done $0x0;
	(pc) =	sbr.rel @p0 .LBB2_2-.Ltmp0, $4  }
0xaa: {  	[sflag:s19] =	ssyncadd.s32 $0xFFFFC000  }
0xab: {  	[spmem:s3] =	stream.indirect.scatter.add.f32 [tilespmem:s16], [sflag:$0x3], $0x80, s2, s14, $0xb8;
	[tilespmem:$0x1C800] =	vst v63  }
0xac: {  	_ =	swait.ge [sflag:s12], $0x4000  }
0xad: {  	s7 =	smov.u32 s8;
	[sflag:s12] =	ssyncset.done $0x0  }
0xae: {  	s6 =	sadd.s32 s5, s10;
	[sflag:s12] =	ssyncadd.s32 $0xFFFFC000  }
0xaf: {  	[tilespmem:s4], [sflag:$0x3] =	stream.linear.gather [hbm4b:s6+s4], $0x400, $0x38;
	[tilespmem:$0x1C800] =	vst v63  }
0xb0: {  	_ =	swait.ge [sflag:s12], $0x400  }
0xb1: {  	[sflag:s12] =	ssyncset.done $0x0  }
0xb2: {  	s7 =	sadd.s32 s5, s9;
	[sflag:s12] =	ssyncadd.s32 $0xFFFFFC00  }
0xb3: {  	[tilespmem:s13], [sflag:$0x3] =	stream.linear.gather [hbm4b:s7+s4], $0x400, $0x38;
	[tilespmem:$0x1C800] =	vst v63  }
0xb4: {  	_ =	swait.ge [sflag:s12], $0x400  }
0xb5: {  	[sflag:s12] =	ssyncset.done $0x0  }
0xb6: {  	[sflag:s12] =	ssyncadd.s32 $0xFFFFFC00  }
0xb7: {  	[tilespmem:s15], [sflag:$0x1] =	stream.indirect.gather [hbm4b:s1+s14], $0x80, s4, s14, $0xb8;
	[tilespmem:$0x1C800] =	vst v63  }
0xb8: {  	_ = 	snop  }
0xb9: {  	[tilespmem:s16], [sflag:$0x2] =	stream.indirect.gather [hbm4b:s1+s14], $0x80, s14, s14, $0xb8;
	[tilespmem:$0x1C800] =	vst v63  }
0xba: {  	_ =	swait.ge [sflag:s17], $0x4000  }
0xbb: {  	[sflag:s17] =	ssyncset.done $0x0  }
0xbc: {  	[sflag:s17] =	ssyncadd.s32 $0xFFFFC000  }
0xbd: {  	[spmem:s3] =	stream.indirect.scatter.add.f32 [tilespmem:s15], [sflag:$0x3], $0x80, s13, s14, $0xb8;
	[tilespmem:$0x1C800] =	vst v63  }
0xbe: {  	_ =	swait.ge [sflag:s12], $0x4000  }
0xbf: {  	[sflag:s12] =	ssyncset.done $0x0  }
0xc0: {  	[sflag:s12] =	ssyncadd.s32 $0xFFFFC000  }
0xc1: {  	[tilespmem:s15], [sflag:$0x1] =	stream.indirect.gather [hbm4b:s1+s14], $0x80, s18, s14, $0xb8;
	[tilespmem:$0x1C800] =	vst v63  }
0xc2: {  	_ =	swait.ge [sflag:s19], $0x4000  }
0xc3: {  	[sflag:s19] =	ssyncset.done $0x0  }
0xc4: {  	[sflag:s19] =	ssyncadd.s32 $0xFFFFC000  }
0xc5: {  	[spmem:s3] =	stream.indirect.scatter.add.f32 [tilespmem:s16], [sflag:$0x3], $0x80, s20, s14, $0xb8;
	[tilespmem:$0x1C800] =	vst v63  }
0xc6: {  	_ =	swait.ge [sflag:s12], $0x4000  }
0xc7: {  	[sflag:s12] =	ssyncset.done $0x0  }
0xc8: {  	[sflag:s12] =	ssyncadd.s32 $0xFFFFC000  }
0xc9: {  	[tilespmem:s16], [sflag:$0x2] =	stream.indirect.gather [hbm4b:s1+s14], $0x80, s21, s14, $0xb8;
	[tilespmem:$0x1C800] =	vst v63  }
0xca: {  	_ =	swait.ge [sflag:s17], $0x4000  }
0xcb: {  	[sflag:s17] =	ssyncset.done $0x0  }
0xcc: {  	[sflag:s17] =	ssyncadd.s32 $0xFFFFC000  }
0xcd: {  	[spmem:s3] =	stream.indirect.scatter.add.f32 [tilespmem:s15], [sflag:$0x3], $0x80, s22, s14, $0xb8;
	[tilespmem:$0x1C800] =	vst v63  }
0xce: {  	_ =	swait.ge [sflag:s12], $0x4000  }
0xcf: {  	[sflag:s12] =	ssyncset.done $0x0  }
0xd0: {  	[sflag:s12] =	ssyncadd.s32 $0xFFFFC000  }
0xd1: {  	[tilespmem:s15], [sflag:$0x1] =	stream.indirect.gather [hbm4b:s1+s14], $0x80, s23, s14, $0xb8;
	[tilespmem:$0x1C800] =	vst v63  }
0xd2: {  	_ =	swait.ge [sflag:s19], $0x4000  }
0xd3: {  	[sflag:s19] =	ssyncset.done $0x0  }
0xd4: {  	[sflag:s19] =	ssyncadd.s32 $0xFFFFC000  }
0xd5: {  	[spmem:s3] =	stream.indirect.scatter.add.f32 [tilespmem:s16], [sflag:$0x3], $0x80, s24, s14, $0xb8;
	[tilespmem:$0x1C800] =	vst v63  }
0xd6: {  	_ =	swait.ge [sflag:s12], $0x4000  }
0xd7: {  	[sflag:s12] =	ssyncset.done $0x0  }
0xd8: {  	[sflag:s12] =	ssyncadd.s32 $0xFFFFC000  }
0xd9: {  	[tilespmem:s16], [sflag:$0x2] =	stream.indirect.gather [hbm4b:s1+s14], $0x80, s25, s14, $0xb8;
	[tilespmem:$0x1C800] =	vst v63  }
0xda: {  	_ =	swait.ge [sflag:s17], $0x4000  }
0xdb: {  	[sflag:s17] =	ssyncset.done $0x0  }
0xdc: {  	[sflag:s17] =	ssyncadd.s32 $0xFFFFC000  }
0xdd: {  	[spmem:s3] =	stream.indirect.scatter.add.f32 [tilespmem:s15], [sflag:$0x3], $0x80, s26, s14, $0xb8;
	[tilespmem:$0x1C800] =	vst v63  }
0xde: {  	_ =	swait.ge [sflag:s12], $0x4000  }
0xdf: {  	[sflag:s12] =	ssyncset.done $0x0  }
0xe0: {  	[sflag:s12] =	ssyncadd.s32 $0xFFFFC000  }
0xe1: {  	[tilespmem:s15], [sflag:$0x1] =	stream.indirect.gather [hbm4b:s1+s14], $0x80, s28, s14, $0xb8;
	[tilespmem:$0x1C800] =	vst v63  }
0xe2: {  	_ =	swait.ge [sflag:s19], $0x4000  }
0xe3: {  	[sflag:s19] =	ssyncset.done $0x0  }
0xe4: {  	[sflag:s19] =	ssyncadd.s32 $0xFFFFC000  }
0xe5: {  	[spmem:s3] =	stream.indirect.scatter.add.f32 [tilespmem:s16], [sflag:$0x3], $0x80, s29, s14, $0xb8;
	[tilespmem:$0x1C800] =	vst v63  }
0xe6: {  	_ =	swait.ge [sflag:s12], $0x4000  }
0xe7: {  	[sflag:s12] =	ssyncset.done $0x0  }
0xe8: {  	[sflag:s12] =	ssyncadd.s32 $0xFFFFC000  }
0xe9: {  	[tilespmem:s16], [sflag:$0x2] =	stream.indirect.gather [hbm4b:s1+s14], $0x80, s30, s14, $0xb8;
	[tilespmem:$0x1C800] =	vst v63  }
0xea: {  	_ =	swait.ge [sflag:s17], $0x4000  }
0xeb: {  	[sflag:s17] =	ssyncset.done $0x0  }
0xec: {  	[sflag:s17] =	ssyncadd.s32 $0xFFFFC000  }
0xed: {  	[spmem:s3] =	stream.indirect.scatter.add.f32 [tilespmem:s15], [sflag:$0x3], $0x80, s31, s14, $0xb8;
	[tilespmem:$0x1C800] =	vst v63  }
0xee: {  	_ =	swait.ge [sflag:s12], $0x4000  }
0xef: {  	[sflag:s12] =	ssyncset.done $0x0  }
0xf0: {  	[sflag:s12] =	ssyncadd.s32 $0xFFFFC000  }
0xf1: {  	_ =	swait.ge [sflag:s19], $0x4000  }
0xf2: {  	[sflag:s19] =	ssyncset.done $0x0  }
0xf3: {  	[sflag:s19] =	ssyncadd.s32 $0xFFFFC000  }
0xf4: {  	[spmem:s3] =	stream.indirect.scatter.add.f32 [tilespmem:s16], [sflag:$0x3], $0x80, s2, s14, $0xb8;
	[tilespmem:$0x1C800] =	vst v63  }
0xf5: {  	_ =	swait.ge [sflag:s12], $0x4000  }
0xf6: {  	[sflag:s12] =	ssyncset.done $0x0  }
0xf7: {  	[sflag:s12] =	ssyncadd.s32 $0xFFFFC000  }
0xf8: {  	[bflag:$0x0] =	sbarrier.arrive $0xFFFF  }
0xf9: {  	s6 =	rddreg [dreg:$0x5]  }
0xfa: {  	s8 =	rddreg [dreg:$0x6]  }
0xfb: {  	s7 =	rddreg [dreg:$0x8]  }
0xfc: {  	[hbm:s8], [sflag:s6] =	dma.local [spmem:s7], $0x2800  }
0xfd: {  	_ =	swait.ge [sflag:s12], $0x2800  }
0xfe: {  	s0 =	sadd.s32 $0x1, s0;
	s11 =	rddreg [dreg:$0x7]  }
0xff: {  	p0 =	sne.s32 s0, s11  }
.Ltmp1:
0x100: {  	_ = 	snop;
	(pc) =	sbr.rel @p0 .LBB2_1-.Ltmp1, $3  }
0x101: {  	_ =	sdelay $0x1  }
0x102: {  	[sflag:s12] =	ssyncset.done $0x0  }
0x103: {  	[sflag:s12] =	ssyncadd.s32 $0xFFFFD800  }
0x104: {  	_ =	sfence.sel $0x180000  }
0x105: {  	[bflag:$0x0] =	sbarrier.arrive $0xFFFF  }
0x106: {  	_ =	strace $0x90000047  }
0x107: {  	s0 =	stileid.u32;
	[bflag:$0x2] =	sbarrier.arrive $0xFFFF  }
0x108: {  	p0 =	sne.s32 s0, $0x0;
	s0 =	rddreg [dreg:$0x3]  }
0x109: {  	s0 =	sadd.s32 @!p0 $0x100000, s0  }
0x10a: {  	[sflag:s0] =	ssyncadd.tile.s32 @!p0 $0x1;
	_ =	shalt  }
.Lfunc_end2:
_tile_overlayer_lowered:
.L_overlay_start_2:
0x10b: {  	(tag) =	ssettag $0x2  }
0x10c: {  	s0 =	rddreg [dreg:$0x0];
	s2 =	stileid.u32  }
0x10d: {  	s1 =	rddreg [dreg:$0x1];
	p0 =	sne.s32 s2, $0x0  }
0x10e: {  	s3 =	rddreg [dreg:$0x2];
	[bflag:$0x3] =	sbarrier.arrive $0xFFFF;
	s2 =	simm.s32 @!p0 $0x1C03  }
0x10f: {  	[timem:s3], [sflag:s2] =	dma.local @!p0 [hbm:s0], s1  }
0x110: {  	s0 =	simm.s32 @!p0 $0x3  }
0x111: {  	_ =	swait.ge @!p0 [sflag:s0], s1  }
0x112: {  	s1 =	ssub.s32 @!p0 $0x0, s1;
	[sflag:s0] =	ssyncset.done @!p0 $0x0  }
0x113: {  	[sflag:s0] =	ssyncadd.s32 @!p0 s1  }
0x114: {  	[bflag:$0x3] =	sbarrier.arrive $0xFFFF  }
0x115: {  	_ =	shalt  }

</sc_bundles>
